<compile_context>
chip_gen: v7x
topology: tpu7x:2x2x1
jax: 0.10.2.dev20260603
libtpu: 0.0.44.dev20260713+nightly
codegen_flags: <defaults>
</compile_context>

<pallas_src>
import functools

import jax
import jax.numpy as jnp
from jax import lax
from jax.experimental import pallas as pl
from jax.experimental.pallas import tpu as pltpu
from jax.experimental.pallas import tpu_sc as plsc

_B = 128
_N_RODT = 512
_N_EST = 64
_N_FOREST = 100
_F_PAD = 104
_N_HIDDEN = 128
_BB = 32
_FPW = 4

_sc_mesh = plsc.VectorSubcoreMesh(core_axis_name="c", subcore_axis_name="s")


@functools.partial(
    pl.kernel,
    mesh=_sc_mesh,
    out_type=jax.ShapeDtypeStruct((_F_PAD * _N_RODT,), jnp.float32),
    scratch_types=[
        pltpu.VMEM((_FPW * _N_EST,), jnp.int32),
        pltpu.VMEM((_FPW * _N_RODT,), jnp.float32),
    ],
    compiler_params=pltpu.CompilerParams(needs_layout_passes=False),
)
def _sc_build_m(swr_hbm, m_hbm, idx_v, buf_v):
    wid = lax.axis_index("s") * 2 + lax.axis_index("c")
    zero16 = jnp.zeros((16,), jnp.float32)
    for i in range(_FPW * _N_RODT // 16):
        buf_v[pl.ds(i * 16, 16)] = zero16

    @pl.when(wid < _N_FOREST // _FPW)
    def _scatter():
        pltpu.sync_copy(swr_hbm.at[pl.ds(wid * _FPW * _N_EST, _FPW * _N_EST)],
                        idx_v)
        ones16 = jnp.ones((16,), jnp.float32)
        for f in range(_FPW):
            for j in range(_N_EST // 16):
                idx = idx_v[pl.ds(f * _N_EST + j * 16, 16)] + f * _N_RODT
                plsc.store_scatter(buf_v, [idx], ones16)

    @pl.when(wid < _F_PAD // _FPW)
    def _writeout():
        pltpu.sync_copy(buf_v,
                        m_hbm.at[pl.ds(wid * _FPW * _N_RODT, _FPW * _N_RODT)])


def _forest_kernel(m_ref, w_ref, e_ref, out_ref):
    for bb in range(_BB):
        wrow = w_ref[bb]
        ew = jnp.exp(wrow - jnp.max(wrow))
        a = m_ref[...] * ew
        d = jnp.sum(a, axis=1, keepdims=True)
        n = jnp.dot(a, e_ref[bb], preferred_element_type=jnp.float32,
                    precision=jax.lax.Precision.DEFAULT)
        out_ref[:, bb] = n[:_N_FOREST] * (1.0 / d[:_N_FOREST])


def kernel(w, E, swr):
    m = _sc_build_m(swr.astype(jnp.int32).reshape(-1))
    m = m.reshape(_F_PAD, _N_RODT)
    w3 = w.reshape(_B, 1, _N_RODT)
    o = pl.pallas_call(
        _forest_kernel,
        grid=(_B // _BB,),
        in_specs=[
            pl.BlockSpec((_F_PAD, _N_RODT), lambda b: (0, 0)),
            pl.BlockSpec((_BB, 1, _N_RODT), lambda b: (b, 0, 0)),
            pl.BlockSpec((_BB, _N_RODT, _N_HIDDEN), lambda b: (b, 0, 0)),
        ],
        out_specs=pl.BlockSpec((_N_FOREST, _BB, _N_HIDDEN), lambda b: (0, b, 0)),
        out_shape=jax.ShapeDtypeStruct((_N_FOREST, _B, _N_HIDDEN), jnp.float32),
    )(m, w3, E)
    return jnp.transpose(o, (1, 0, 2))

# --- scband reference (transcript-rebuilt; emitter-appended) ---
"""Pipeline reference for scband-r-odtforest-construction-2456721293496 (READ-ONLY COPY).

The authoritative reference and input builder live on the scoring server;
editing this copy changes nothing except your own understanding.
"""

import jax, jax.numpy as jnp
import numpy as np

B = 128
N_RODT = 512
N_EST = 64
N_FOREST = 100
N_HIDDEN = 128


def setup_inputs(seed: int = 0) -> dict:
    key = jax.random.key(seed)
    k1, k2, k3 = jax.random.split(key, 3)
    w = jax.random.normal(k1, (B, N_RODT, 1), dtype=jnp.float32)
    E = jax.random.normal(k2, (B, N_RODT, N_HIDDEN), dtype=jnp.float32)
    # sample-without-replacement index buffer, generated at init (eval mode uses fixed buffer)
    swr = jnp.argsort(jax.random.uniform(k3, (N_FOREST, N_RODT)), axis=-1)[:, :N_EST]
    return {"w": w, "E": E, "swr": swr}


def reference(w, E, swr):
    # w: [B, n_rodt, 1], E: [B, n_rodt, n_hidden], swr: [n_forest, n_estimator] int indices < n_rodt
    w_prime = jax.nn.softmax(w[:, swr], axis=-2)  # [B, n_forest, n_estimator, 1]
    E_prime = E[:, swr].reshape(E.shape[0], N_FOREST, N_EST, N_HIDDEN)  # [B, n_forest, n_estimator, n_hidden]
    F_out = (w_prime * E_prime).sum(-2).reshape(E.shape[0], N_FOREST, N_HIDDEN)
    return F_out

if __name__ == "__main__":
    import jax
    _d = setup_inputs()
    print(jax.jit(kernel)(*tuple(_d.values())))

</pallas_src>

<mosaic_0001>
#map = affine_map<(d0, d1) -> (0)>
module attributes {stable_mosaic.version = 14 : i64} {
  func.func @_sc_build_m(%arg0: i32, %arg1: i32, %arg2: memref<6400xi32, #tpu.memory_space<hbm>>, %arg3: memref<53248xf32, #tpu.memory_space<hbm>>, %arg4: memref<256xi32, #tpu.memory_space<vmem>>, %arg5: memref<2048xf32, #tpu.memory_space<vmem>>) attributes {dimension_semantics = [#tpu.dimension_semantics<core_parallel>, #tpu.dimension_semantics<subcore_parallel>], iteration_bounds = array<i64: 2, 16>, scalar_prefetch = 0 : i64, scratch_operands = 2 : i64, tpu.core_type = #tpu.core_type<sc_vector_subcore>, window_params = [{transform_indices = #map}, {transform_indices = #map}]} {
    %mul3A = arith.constant 2 : i32
    %mul3A_0 = arith.muli %arg1, %mul3A : i32
    %add3A = arith.addi %mul3A_0, %arg0 : i32
    %broadcast_in_dim3A = arith.constant 0.000000e+00 : f32
    %broadcast_in_dim3A_1 = vector.broadcast %broadcast_in_dim3A : f32 to vector<16xf32>
    %swap3A = arith.constant 0 : index
    %swap3A_2 = tpu.vector_load %arg5[%swap3A] {strides = array<i32>} : memref<2048xf32, #tpu.memory_space<vmem>>, vector<16xf32>,
    tpu.vector_store %arg5[%swap3A], %broadcast_in_dim3A_1 {strides = array<i32>} : memref<2048xf32, #tpu.memory_space<vmem>>, vector<16xf32>,
    %swap3A_3 = arith.constant 16 : index
    %swap3A_4 = tpu.vector_load %arg5[%swap3A_3] {strides = array<i32>} : memref<2048xf32, #tpu.memory_space<vmem>>, vector<16xf32>,
    tpu.vector_store %arg5[%swap3A_3], %broadcast_in_dim3A_1 {strides = array<i32>} : memref<2048xf32, #tpu.memory_space<vmem>>, vector<16xf32>,
    %swap3A_5 = arith.constant 32 : index
    %swap3A_6 = tpu.vector_load %arg5[%swap3A_5] {strides = array<i32>} : memref<2048xf32, #tpu.memory_space<vmem>>, vector<16xf32>,
    tpu.vector_store %arg5[%swap3A_5], %broadcast_in_dim3A_1 {strides = array<i32>} : memref<2048xf32, #tpu.memory_space<vmem>>, vector<16xf32>,
    %swap3A_7 = arith.constant 48 : index
    %swap3A_8 = tpu.vector_load %arg5[%swap3A_7] {strides = array<i32>} : memref<2048xf32, #tpu.memory_space<vmem>>, vector<16xf32>,
    tpu.vector_store %arg5[%swap3A_7], %broadcast_in_dim3A_1 {strides = array<i32>} : memref<2048xf32, #tpu.memory_space<vmem>>, vector<16xf32>,
    %swap3A_9 = arith.constant 64 : index
    %swap3A_10 = tpu.vector_load %arg5[%swap3A_9] {strides = array<i32>} : memref<2048xf32, #tpu.memory_space<vmem>>, vector<16xf32>,
    tpu.vector_store %arg5[%swap3A_9], %broadcast_in_dim3A_1 {strides = array<i32>} : memref<2048xf32, #tpu.memory_space<vmem>>, vector<16xf32>,
    %swap3A_11 = arith.constant 80 : index
    %swap3A_12 = tpu.vector_load %arg5[%swap3A_11] {strides = array<i32>} : memref<2048xf32, #tpu.memory_space<vmem>>, vector<16xf32>,
    tpu.vector_store %arg5[%swap3A_11], %broadcast_in_dim3A_1 {strides = array<i32>} : memref<2048xf32, #tpu.memory_space<vmem>>, vector<16xf32>,
    %swap3A_13 = arith.constant 96 : index
    %swap3A_14 = tpu.vector_load %arg5[%swap3A_13] {strides = array<i32>} : memref<2048xf32, #tpu.memory_space<vmem>>, vector<16xf32>,
    tpu.vector_store %arg5[%swap3A_13], %broadcast_in_dim3A_1 {strides = array<i32>} : memref<2048xf32, #tpu.memory_space<vmem>>, vector<16xf32>,
    %swap3A_15 = arith.constant 112 : index
    %swap3A_16 = tpu.vector_load %arg5[%swap3A_15] {strides = array<i32>} : memref<2048xf32, #tpu.memory_space<vmem>>, vector<16xf32>,
    tpu.vector_store %arg5[%swap3A_15], %broadcast_in_dim3A_1 {strides = array<i32>} : memref<2048xf32, #tpu.memory_space<vmem>>, vector<16xf32>,
    %swap3A_17 = arith.constant 128 : index
    %swap3A_18 = tpu.vector_load %arg5[%swap3A_17] {strides = array<i32>} : memref<2048xf32, #tpu.memory_space<vmem>>, vector<16xf32>,
    tpu.vector_store %arg5[%swap3A_17], %broadcast_in_dim3A_1 {strides = array<i32>} : memref<2048xf32, #tpu.memory_space<vmem>>, vector<16xf32>,
    %swap3A_19 = arith.constant 144 : index
    %swap3A_20 = tpu.vector_load %arg5[%swap3A_19] {strides = array<i32>} : memref<2048xf32, #tpu.memory_space<vmem>>, vector<16xf32>,
    tpu.vector_store %arg5[%swap3A_19], %broadcast_in_dim3A_1 {strides = array<i32>} : memref<2048xf32, #tpu.memory_space<vmem>>, vector<16xf32>,
    %swap3A_21 = arith.constant 160 : index
    %swap3A_22 = tpu.vector_load %arg5[%swap3A_21] {strides = array<i32>} : memref<2048xf32, #tpu.memory_space<vmem>>, vector<16xf32>,
    tpu.vector_store %arg5[%swap3A_21], %broadcast_in_dim3A_1 {strides = array<i32>} : memref<2048xf32, #tpu.memory_space<vmem>>, vector<16xf32>,
    %swap3A_23 = arith.constant 176 : index
    %swap3A_24 = tpu.vector_load %arg5[%swap3A_23] {strides = array<i32>} : memref<2048xf32, #tpu.memory_space<vmem>>, vector<16xf32>,
    tpu.vector_store %arg5[%swap3A_23], %broadcast_in_dim3A_1 {strides = array<i32>} : memref<2048xf32, #tpu.memory_space<vmem>>, vector<16xf32>,
    %swap3A_25 = arith.constant 192 : index
    %swap3A_26 = tpu.vector_load %arg5[%swap3A_25] {strides = array<i32>} : memref<2048xf32, #tpu.memory_space<vmem>>, vector<16xf32>,
    tpu.vector_store %arg5[%swap3A_25], %broadcast_in_dim3A_1 {strides = array<i32>} : memref<2048xf32, #tpu.memory_space<vmem>>, vector<16xf32>,
    %swap3A_27 = arith.constant 208 : index
    %swap3A_28 = tpu.vector_load %arg5[%swap3A_27] {strides = array<i32>} : memref<2048xf32, #tpu.memory_space<vmem>>, vector<16xf32>,
    tpu.vector_store %arg5[%swap3A_27], %broadcast_in_dim3A_1 {strides = array<i32>} : memref<2048xf32, #tpu.memory_space<vmem>>, vector<16xf32>,
    %swap3A_29 = arith.constant 224 : index
    %swap3A_30 = tpu.vector_load %arg5[%swap3A_29] {strides = array<i32>} : memref<2048xf32, #tpu.memory_space<vmem>>, vector<16xf32>,
    tpu.vector_store %arg5[%swap3A_29], %broadcast_in_dim3A_1 {strides = array<i32>} : memref<2048xf32, #tpu.memory_space<vmem>>, vector<16xf32>,
    %swap3A_31 = arith.constant 240 : index
    %swap3A_32 = tpu.vector_load %arg5[%swap3A_31] {strides = array<i32>} : memref<2048xf32, #tpu.memory_space<vmem>>, vector<16xf32>,
    tpu.vector_store %arg5[%swap3A_31], %broadcast_in_dim3A_1 {strides = array<i32>} : memref<2048xf32, #tpu.memory_space<vmem>>, vector<16xf32>,
    %swap3A_33 = arith.constant 256 : index
    %swap3A_34 = tpu.vector_load %arg5[%swap3A_33] {strides = array<i32>} : memref<2048xf32, #tpu.memory_space<vmem>>, vector<16xf32>,
    tpu.vector_store %arg5[%swap3A_33], %broadcast_in_dim3A_1 {strides = array<i32>} : memref<2048xf32, #tpu.memory_space<vmem>>, vector<16xf32>,
    %swap3A_35 = arith.constant 272 : index
    %swap3A_36 = tpu.vector_load %arg5[%swap3A_35] {strides = array<i32>} : memref<2048xf32, #tpu.memory_space<vmem>>, vector<16xf32>,
    tpu.vector_store %arg5[%swap3A_35], %broadcast_in_dim3A_1 {strides = array<i32>} : memref<2048xf32, #tpu.memory_space<vmem>>, vector<16xf32>,
    %swap3A_37 = arith.constant 288 : index
    %swap3A_38 = tpu.vector_load %arg5[%swap3A_37] {strides = array<i32>} : memref<2048xf32, #tpu.memory_space<vmem>>, vector<16xf32>,
    tpu.vector_store %arg5[%swap3A_37], %broadcast_in_dim3A_1 {strides = array<i32>} : memref<2048xf32, #tpu.memory_space<vmem>>, vector<16xf32>,
    %swap3A_39 = arith.constant 304 : index
    %swap3A_40 = tpu.vector_load %arg5[%swap3A_39] {strides = array<i32>} : memref<2048xf32, #tpu.memory_space<vmem>>, vector<16xf32>,
    tpu.vector_store %arg5[%swap3A_39], %broadcast_in_dim3A_1 {strides = array<i32>} : memref<2048xf32, #tpu.memory_space<vmem>>, vector<16xf32>,
    %swap3A_41 = arith.constant 320 : index
    %swap3A_42 = tpu.vector_load %arg5[%swap3A_41] {strides = array<i32>} : memref<2048xf32, #tpu.memory_space<vmem>>, vector<16xf32>,
    tpu.vector_store %arg5[%swap3A_41], %broadcast_in_dim3A_1 {strides = array<i32>} : memref<2048xf32, #tpu.memory_space<vmem>>, vector<16xf32>,
    %swap3A_43 = arith.constant 336 : index
    %swap3A_44 = tpu.vector_load %arg5[%swap3A_43] {strides = array<i32>} : memref<2048xf32, #tpu.memory_space<vmem>>, vector<16xf32>,
    tpu.vector_store %arg5[%swap3A_43], %broadcast_in_dim3A_1 {strides = array<i32>} : memref<2048xf32, #tpu.memory_space<vmem>>, vector<16xf32>,
    %swap3A_45 = arith.constant 352 : index
    %swap3A_46 = tpu.vector_load %arg5[%swap3A_45] {strides = array<i32>} : memref<2048xf32, #tpu.memory_space<vmem>>, vector<16xf32>,
    tpu.vector_store %arg5[%swap3A_45], %broadcast_in_dim3A_1 {strides = array<i32>} : memref<2048xf32, #tpu.memory_space<vmem>>, vector<16xf32>,
    %swap3A_47 = arith.constant 368 : index
    %swap3A_48 = tpu.vector_load %arg5[%swap3A_47] {strides = array<i32>} : memref<2048xf32, #tpu.memory_space<vmem>>, vector<16xf32>,
    tpu.vector_store %arg5[%swap3A_47], %broadcast_in_dim3A_1 {strides = array<i32>} : memref<2048xf32, #tpu.memory_space<vmem>>, vector<16xf32>,
    %swap3A_49 = arith.constant 384 : index
    %swap3A_50 = tpu.vector_load %arg5[%swap3A_49] {strides = array<i32>} : memref<2048xf32, #tpu.memory_space<vmem>>, vector<16xf32>,
    tpu.vector_store %arg5[%swap3A_49], %broadcast_in_dim3A_1 {strides = array<i32>} : memref<2048xf32, #tpu.memory_space<vmem>>, vector<16xf32>,
    %swap3A_51 = arith.constant 400 : index
    %swap3A_52 = tpu.vector_load %arg5[%swap3A_51] {strides = array<i32>} : memref<2048xf32, #tpu.memory_space<vmem>>, vector<16xf32>,
    tpu.vector_store %arg5[%swap3A_51], %broadcast_in_dim3A_1 {strides = array<i32>} : memref<2048xf32, #tpu.memory_space<vmem>>, vector<16xf32>,
    %swap3A_53 = arith.constant 416 : index
    %swap3A_54 = tpu.vector_load %arg5[%swap3A_53] {strides = array<i32>} : memref<2048xf32, #tpu.memory_space<vmem>>, vector<16xf32>,
    tpu.vector_store %arg5[%swap3A_53], %broadcast_in_dim3A_1 {strides = array<i32>} : memref<2048xf32, #tpu.memory_space<vmem>>, vector<16xf32>,
    %swap3A_55 = arith.constant 432 : index
    %swap3A_56 = tpu.vector_load %arg5[%swap3A_55] {strides = array<i32>} : memref<2048xf32, #tpu.memory_space<vmem>>, vector<16xf32>,
    tpu.vector_store %arg5[%swap3A_55], %broadcast_in_dim3A_1 {strides = array<i32>} : memref<2048xf32, #tpu.memory_space<vmem>>, vector<16xf32>,
    %swap3A_57 = arith.constant 448 : index
    %swap3A_58 = tpu.vector_load %arg5[%swap3A_57] {strides = array<i32>} : memref<2048xf32, #tpu.memory_space<vmem>>, vector<16xf32>,
    tpu.vector_store %arg5[%swap3A_57], %broadcast_in_dim3A_1 {strides = array<i32>} : memref<2048xf32, #tpu.memory_space<vmem>>, vector<16xf32>,
    %swap3A_59 = arith.constant 464 : index
    %swap3A_60 = tpu.vector_load %arg5[%swap3A_59] {strides = array<i32>} : memref<2048xf32, #tpu.memory_space<vmem>>, vector<16xf32>,
    tpu.vector_store %arg5[%swap3A_59], %broadcast_in_dim3A_1 {strides = array<i32>} : memref<2048xf32, #tpu.memory_space<vmem>>, vector<16xf32>,
    %swap3A_61 = arith.constant 480 : index
    %swap3A_62 = tpu.vector_load %arg5[%swap3A_61] {strides = array<i32>} : memref<2048xf32, #tpu.memory_space<vmem>>, vector<16xf32>,
    tpu.vector_store %arg5[%swap3A_61], %broadcast_in_dim3A_1 {strides = array<i32>} : memref<2048xf32, #tpu.memory_space<vmem>>, vector<16xf32>,
    %swap3A_63 = arith.constant 496 : index
    %swap3A_64 = tpu.vector_load %arg5[%swap3A_63] {strides = array<i32>} : memref<2048xf32, #tpu.memory_space<vmem>>, vector<16xf32>,
    tpu.vector_store %arg5[%swap3A_63], %broadcast_in_dim3A_1 {strides = array<i32>} : memref<2048xf32, #tpu.memory_space<vmem>>, vector<16xf32>,
    %swap3A_65 = arith.constant 512 : index
    %swap3A_66 = tpu.vector_load %arg5[%swap3A_65] {strides = array<i32>} : memref<2048xf32, #tpu.memory_space<vmem>>, vector<16xf32>,
    tpu.vector_store %arg5[%swap3A_65], %broadcast_in_dim3A_1 {strides = array<i32>} : memref<2048xf32, #tpu.memory_space<vmem>>, vector<16xf32>,
    %swap3A_67 = arith.constant 528 : index
    %swap3A_68 = tpu.vector_load %arg5[%swap3A_67] {strides = array<i32>} : memref<2048xf32, #tpu.memory_space<vmem>>, vector<16xf32>,
    tpu.vector_store %arg5[%swap3A_67], %broadcast_in_dim3A_1 {strides = array<i32>} : memref<2048xf32, #tpu.memory_space<vmem>>, vector<16xf32>,
    %swap3A_69 = arith.constant 544 : index
    %swap3A_70 = tpu.vector_load %arg5[%swap3A_69] {strides = array<i32>} : memref<2048xf32, #tpu.memory_space<vmem>>, vector<16xf32>,
    tpu.vector_store %arg5[%swap3A_69], %broadcast_in_dim3A_1 {strides = array<i32>} : memref<2048xf32, #tpu.memory_space<vmem>>, vector<16xf32>,
    %swap3A_71 = arith.constant 560 : index
    %swap3A_72 = tpu.vector_load %arg5[%swap3A_71] {strides = array<i32>} : memref<2048xf32, #tpu.memory_space<vmem>>, vector<16xf32>,
    tpu.vector_store %arg5[%swap3A_71], %broadcast_in_dim3A_1 {strides = array<i32>} : memref<2048xf32, #tpu.memory_space<vmem>>, vector<16xf32>,
    %swap3A_73 = arith.constant 576 : index
    %swap3A_74 = tpu.vector_load %arg5[%swap3A_73] {strides = array<i32>} : memref<2048xf32, #tpu.memory_space<vmem>>, vector<16xf32>,
    tpu.vector_store %arg5[%swap3A_73], %broadcast_in_dim3A_1 {strides = array<i32>} : memref<2048xf32, #tpu.memory_space<vmem>>, vector<16xf32>,
    %swap3A_75 = arith.constant 592 : index
    %swap3A_76 = tpu.vector_load %arg5[%swap3A_75] {strides = array<i32>} : memref<2048xf32, #tpu.memory_space<vmem>>, vector<16xf32>,
    tpu.vector_store %arg5[%swap3A_75], %broadcast_in_dim3A_1 {strides = array<i32>} : memref<2048xf32, #tpu.memory_space<vmem>>, vector<16xf32>,
    %swap3A_77 = arith.constant 608 : index
    %swap3A_78 = tpu.vector_load %arg5[%swap3A_77] {strides = array<i32>} : memref<2048xf32, #tpu.memory_space<vmem>>, vector<16xf32>,
    tpu.vector_store %arg5[%swap3A_77], %broadcast_in_dim3A_1 {strides = array<i32>} : memref<2048xf32, #tpu.memory_space<vmem>>, vector<16xf32>,
    %swap3A_79 = arith.constant 624 : index
    %swap3A_80 = tpu.vector_load %arg5[%swap3A_79] {strides = array<i32>} : memref<2048xf32, #tpu.memory_space<vmem>>, vector<16xf32>,
    tpu.vector_store %arg5[%swap3A_79], %broadcast_in_dim3A_1 {strides = array<i32>} : memref<2048xf32, #tpu.memory_space<vmem>>, vector<16xf32>,
    %swap3A_81 = arith.constant 640 : index
    %swap3A_82 = tpu.vector_load %arg5[%swap3A_81] {strides = array<i32>} : memref<2048xf32, #tpu.memory_space<vmem>>, vector<16xf32>,
    tpu.vector_store %arg5[%swap3A_81], %broadcast_in_dim3A_1 {strides = array<i32>} : memref<2048xf32, #tpu.memory_space<vmem>>, vector<16xf32>,
    %swap3A_83 = arith.constant 656 : index
    %swap3A_84 = tpu.vector_load %arg5[%swap3A_83] {strides = array<i32>} : memref<2048xf32, #tpu.memory_space<vmem>>, vector<16xf32>,
    tpu.vector_store %arg5[%swap3A_83], %broadcast_in_dim3A_1 {strides = array<i32>} : memref<2048xf32, #tpu.memory_space<vmem>>, vector<16xf32>,
    %swap3A_85 = arith.constant 672 : index
    %swap3A_86 = tpu.vector_load %arg5[%swap3A_85] {strides = array<i32>} : memref<2048xf32, #tpu.memory_space<vmem>>, vector<16xf32>,
    tpu.vector_store %arg5[%swap3A_85], %broadcast_in_dim3A_1 {strides = array<i32>} : memref<2048xf32, #tpu.memory_space<vmem>>, vector<16xf32>,
    %swap3A_87 = arith.constant 688 : index
    %swap3A_88 = tpu.vector_load %arg5[%swap3A_87] {strides = array<i32>} : memref<2048xf32, #tpu.memory_space<vmem>>, vector<16xf32>,
    tpu.vector_store %arg5[%swap3A_87], %broadcast_in_dim3A_1 {strides = array<i32>} : memref<2048xf32, #tpu.memory_space<vmem>>, vector<16xf32>,
    %swap3A_89 = arith.constant 704 : index
    %swap3A_90 = tpu.vector_load %arg5[%swap3A_89] {strides = array<i32>} : memref<2048xf32, #tpu.memory_space<vmem>>, vector<16xf32>,
    tpu.vector_store %arg5[%swap3A_89], %broadcast_in_dim3A_1 {strides = array<i32>} : memref<2048xf32, #tpu.memory_space<vmem>>, vector<16xf32>,
    %swap3A_91 = arith.constant 720 : index
    %swap3A_92 = tpu.vector_load %arg5[%swap3A_91] {strides = array<i32>} : memref<2048xf32, #tpu.memory_space<vmem>>, vector<16xf32>,
    tpu.vector_store %arg5[%swap3A_91], %broadcast_in_dim3A_1 {strides = array<i32>} : memref<2048xf32, #tpu.memory_space<vmem>>, vector<16xf32>,
    %swap3A_93 = arith.constant 736 : index
    %swap3A_94 = tpu.vector_load %arg5[%swap3A_93] {strides = array<i32>} : memref<2048xf32, #tpu.memory_space<vmem>>, vector<16xf32>,
    tpu.vector_store %arg5[%swap3A_93], %broadcast_in_dim3A_1 {strides = array<i32>} : memref<2048xf32, #tpu.memory_space<vmem>>, vector<16xf32>,
    %swap3A_95 = arith.constant 752 : index
    %swap3A_96 = tpu.vector_load %arg5[%swap3A_95] {strides = array<i32>} : memref<2048xf32, #tpu.memory_space<vmem>>, vector<16xf32>,
    tpu.vector_store %arg5[%swap3A_95], %broadcast_in_dim3A_1 {strides = array<i32>} : memref<2048xf32, #tpu.memory_space<vmem>>, vector<16xf32>,
    %swap3A_97 = arith.constant 768 : index
    %swap3A_98 = tpu.vector_load %arg5[%swap3A_97] {strides = array<i32>} : memref<2048xf32, #tpu.memory_space<vmem>>, vector<16xf32>,
    tpu.vector_store %arg5[%swap3A_97], %broadcast_in_dim3A_1 {strides = array<i32>} : memref<2048xf32, #tpu.memory_space<vmem>>, vector<16xf32>,
    %swap3A_99 = arith.constant 784 : index
    %swap3A_100 = tpu.vector_load %arg5[%swap3A_99] {strides = array<i32>} : memref<2048xf32, #tpu.memory_space<vmem>>, vector<16xf32>,
    tpu.vector_store %arg5[%swap3A_99], %broadcast_in_dim3A_1 {strides = array<i32>} : memref<2048xf32, #tpu.memory_space<vmem>>, vector<16xf32>,
    %swap3A_101 = arith.constant 800 : index
    %swap3A_102 = tpu.vector_load %arg5[%swap3A_101] {strides = array<i32>} : memref<2048xf32, #tpu.memory_space<vmem>>, vector<16xf32>,
    tpu.vector_store %arg5[%swap3A_101], %broadcast_in_dim3A_1 {strides = array<i32>} : memref<2048xf32, #tpu.memory_space<vmem>>, vector<16xf32>,
    %swap3A_103 = arith.constant 816 : index
    %swap3A_104 = tpu.vector_load %arg5[%swap3A_103] {strides = array<i32>} : memref<2048xf32, #tpu.memory_space<vmem>>, vector<16xf32>,
    tpu.vector_store %arg5[%swap3A_103], %broadcast_in_dim3A_1 {strides = array<i32>} : memref<2048xf32, #tpu.memory_space<vmem>>, vector<16xf32>,
    %swap3A_105 = arith.constant 832 : index
    %swap3A_106 = tpu.vector_load %arg5[%swap3A_105] {strides = array<i32>} : memref<2048xf32, #tpu.memory_space<vmem>>, vector<16xf32>,
    tpu.vector_store %arg5[%swap3A_105], %broadcast_in_dim3A_1 {strides = array<i32>} : memref<2048xf32, #tpu.memory_space<vmem>>, vector<16xf32>,
    %swap3A_107 = arith.constant 848 : index
    %swap3A_108 = tpu.vector_load %arg5[%swap3A_107] {strides = array<i32>} : memref<2048xf32, #tpu.memory_space<vmem>>, vector<16xf32>,
    tpu.vector_store %arg5[%swap3A_107], %broadcast_in_dim3A_1 {strides = array<i32>} : memref<2048xf32, #tpu.memory_space<vmem>>, vector<16xf32>,
    %swap3A_109 = arith.constant 864 : index
    %swap3A_110 = tpu.vector_load %arg5[%swap3A_109] {strides = array<i32>} : memref<2048xf32, #tpu.memory_space<vmem>>, vector<16xf32>,
    tpu.vector_store %arg5[%swap3A_109], %broadcast_in_dim3A_1 {strides = array<i32>} : memref<2048xf32, #tpu.memory_space<vmem>>, vector<16xf32>,
    %swap3A_111 = arith.constant 880 : index
    %swap3A_112 = tpu.vector_load %arg5[%swap3A_111] {strides = array<i32>} : memref<2048xf32, #tpu.memory_space<vmem>>, vector<16xf32>,
    tpu.vector_store %arg5[%swap3A_111], %broadcast_in_dim3A_1 {strides = array<i32>} : memref<2048xf32, #tpu.memory_space<vmem>>, vector<16xf32>,
    %swap3A_113 = arith.constant 896 : index
    %swap3A_114 = tpu.vector_load %arg5[%swap3A_113] {strides = array<i32>} : memref<2048xf32, #tpu.memory_space<vmem>>, vector<16xf32>,
    tpu.vector_store %arg5[%swap3A_113], %broadcast_in_dim3A_1 {strides = array<i32>} : memref<2048xf32, #tpu.memory_space<vmem>>, vector<16xf32>,
    %swap3A_115 = arith.constant 912 : index
    %swap3A_116 = tpu.vector_load %arg5[%swap3A_115] {strides = array<i32>} : memref<2048xf32, #tpu.memory_space<vmem>>, vector<16xf32>,
    tpu.vector_store %arg5[%swap3A_115], %broadcast_in_dim3A_1 {strides = array<i32>} : memref<2048xf32, #tpu.memory_space<vmem>>, vector<16xf32>,
    %swap3A_117 = arith.constant 928 : index
    %swap3A_118 = tpu.vector_load %arg5[%swap3A_117] {strides = array<i32>} : memref<2048xf32, #tpu.memory_space<vmem>>, vector<16xf32>,
    tpu.vector_store %arg5[%swap3A_117], %broadcast_in_dim3A_1 {strides = array<i32>} : memref<2048xf32, #tpu.memory_space<vmem>>, vector<16xf32>,
    %swap3A_119 = arith.constant 944 : index
    %swap3A_120 = tpu.vector_load %arg5[%swap3A_119] {strides = array<i32>} : memref<2048xf32, #tpu.memory_space<vmem>>, vector<16xf32>,
    tpu.vector_store %arg5[%swap3A_119], %broadcast_in_dim3A_1 {strides = array<i32>} : memref<2048xf32, #tpu.memory_space<vmem>>, vector<16xf32>,
    %swap3A_121 = arith.constant 960 : index
    %swap3A_122 = tpu.vector_load %arg5[%swap3A_121] {strides = array<i32>} : memref<2048xf32, #tpu.memory_space<vmem>>, vector<16xf32>,
    tpu.vector_store %arg5[%swap3A_121], %broadcast_in_dim3A_1 {strides = array<i32>} : memref<2048xf32, #tpu.memory_space<vmem>>, vector<16xf32>,
    %swap3A_123 = arith.constant 976 : index
    %swap3A_124 = tpu.vector_load %arg5[%swap3A_123] {strides = array<i32>} : memref<2048xf32, #tpu.memory_space<vmem>>, vector<16xf32>,
    tpu.vector_store %arg5[%swap3A_123], %broadcast_in_dim3A_1 {strides = array<i32>} : memref<2048xf32, #tpu.memory_space<vmem>>, vector<16xf32>,
    %swap3A_125 = arith.constant 992 : index
    %swap3A_126 = tpu.vector_load %arg5[%swap3A_125] {strides = array<i32>} : memref<2048xf32, #tpu.memory_space<vmem>>, vector<16xf32>,
    tpu.vector_store %arg5[%swap3A_125], %broadcast_in_dim3A_1 {strides = array<i32>} : memref<2048xf32, #tpu.memory_space<vmem>>, vector<16xf32>,
    %swap3A_127 = arith.constant 1008 : index
    %swap3A_128 = tpu.vector_load %arg5[%swap3A_127] {strides = array<i32>} : memref<2048xf32, #tpu.memory_space<vmem>>, vector<16xf32>,
    tpu.vector_store %arg5[%swap3A_127], %broadcast_in_dim3A_1 {strides = array<i32>} : memref<2048xf32, #tpu.memory_space<vmem>>, vector<16xf32>,
    %swap3A_129 = arith.constant 1024 : index
    %swap3A_130 = tpu.vector_load %arg5[%swap3A_129] {strides = array<i32>} : memref<2048xf32, #tpu.memory_space<vmem>>, vector<16xf32>,
    tpu.vector_store %arg5[%swap3A_129], %broadcast_in_dim3A_1 {strides = array<i32>} : memref<2048xf32, #tpu.memory_space<vmem>>, vector<16xf32>,
    %swap3A_131 = arith.constant 1040 : index
    %swap3A_132 = tpu.vector_load %arg5[%swap3A_131] {strides = array<i32>} : memref<2048xf32, #tpu.memory_space<vmem>>, vector<16xf32>,
    tpu.vector_store %arg5[%swap3A_131], %broadcast_in_dim3A_1 {strides = array<i32>} : memref<2048xf32, #tpu.memory_space<vmem>>, vector<16xf32>,
    %swap3A_133 = arith.constant 1056 : index
    %swap3A_134 = tpu.vector_load %arg5[%swap3A_133] {strides = array<i32>} : memref<2048xf32, #tpu.memory_space<vmem>>, vector<16xf32>,
    tpu.vector_store %arg5[%swap3A_133], %broadcast_in_dim3A_1 {strides = array<i32>} : memref<2048xf32, #tpu.memory_space<vmem>>, vector<16xf32>,
    %swap3A_135 = arith.constant 1072 : index
    %swap3A_136 = tpu.vector_load %arg5[%swap3A_135] {strides = array<i32>} : memref<2048xf32, #tpu.memory_space<vmem>>, vector<16xf32>,
    tpu.vector_store %arg5[%swap3A_135], %broadcast_in_dim3A_1 {strides = array<i32>} : memref<2048xf32, #tpu.memory_space<vmem>>, vector<16xf32>,
    %swap3A_137 = arith.constant 1088 : index
    %swap3A_138 = tpu.vector_load %arg5[%swap3A_137] {strides = array<i32>} : memref<2048xf32, #tpu.memory_space<vmem>>, vector<16xf32>,
    tpu.vector_store %arg5[%swap3A_137], %broadcast_in_dim3A_1 {strides = array<i32>} : memref<2048xf32, #tpu.memory_space<vmem>>, vector<16xf32>,
    %swap3A_139 = arith.constant 1104 : index
    %swap3A_140 = tpu.vector_load %arg5[%swap3A_139] {strides = array<i32>} : memref<2048xf32, #tpu.memory_space<vmem>>, vector<16xf32>,
    tpu.vector_store %arg5[%swap3A_139], %broadcast_in_dim3A_1 {strides = array<i32>} : memref<2048xf32, #tpu.memory_space<vmem>>, vector<16xf32>,
    %swap3A_141 = arith.constant 1120 : index
    %swap3A_142 = tpu.vector_load %arg5[%swap3A_141] {strides = array<i32>} : memref<2048xf32, #tpu.memory_space<vmem>>, vector<16xf32>,
    tpu.vector_store %arg5[%swap3A_141], %broadcast_in_dim3A_1 {strides = array<i32>} : memref<2048xf32, #tpu.memory_space<vmem>>, vector<16xf32>,
    %swap3A_143 = arith.constant 1136 : index
    %swap3A_144 = tpu.vector_load %arg5[%swap3A_143] {strides = array<i32>} : memref<2048xf32, #tpu.memory_space<vmem>>, vector<16xf32>,
    tpu.vector_store %arg5[%swap3A_143], %broadcast_in_dim3A_1 {strides = array<i32>} : memref<2048xf32, #tpu.memory_space<vmem>>, vector<16xf32>,
    %swap3A_145 = arith.constant 1152 : index
    %swap3A_146 = tpu.vector_load %arg5[%swap3A_145] {strides = array<i32>} : memref<2048xf32, #tpu.memory_space<vmem>>, vector<16xf32>,
    tpu.vector_store %arg5[%swap3A_145], %broadcast_in_dim3A_1 {strides = array<i32>} : memref<2048xf32, #tpu.memory_space<vmem>>, vector<16xf32>,
    %swap3A_147 = arith.constant 1168 : index
    %swap3A_148 = tpu.vector_load %arg5[%swap3A_147] {strides = array<i32>} : memref<2048xf32, #tpu.memory_space<vmem>>, vector<16xf32>,
    tpu.vector_store %arg5[%swap3A_147], %broadcast_in_dim3A_1 {strides = array<i32>} : memref<2048xf32, #tpu.memory_space<vmem>>, vector<16xf32>,
    %swap3A_149 = arith.constant 1184 : index
    %swap3A_150 = tpu.vector_load %arg5[%swap3A_149] {strides = array<i32>} : memref<2048xf32, #tpu.memory_space<vmem>>, vector<16xf32>,
    tpu.vector_store %arg5[%swap3A_149], %broadcast_in_dim3A_1 {strides = array<i32>} : memref<2048xf32, #tpu.memory_space<vmem>>, vector<16xf32>,
    %swap3A_151 = arith.constant 1200 : index
    %swap3A_152 = tpu.vector_load %arg5[%swap3A_151] {strides = array<i32>} : memref<2048xf32, #tpu.memory_space<vmem>>, vector<16xf32>,
    tpu.vector_store %arg5[%swap3A_151], %broadcast_in_dim3A_1 {strides = array<i32>} : memref<2048xf32, #tpu.memory_space<vmem>>, vector<16xf32>,
    %swap3A_153 = arith.constant 1216 : index
    %swap3A_154 = tpu.vector_load %arg5[%swap3A_153] {strides = array<i32>} : memref<2048xf32, #tpu.memory_space<vmem>>, vector<16xf32>,
    tpu.vector_store %arg5[%swap3A_153], %broadcast_in_dim3A_1 {strides = array<i32>} : memref<2048xf32, #tpu.memory_space<vmem>>, vector<16xf32>,
    %swap3A_155 = arith.constant 1232 : index
    %swap3A_156 = tpu.vector_load %arg5[%swap3A_155] {strides = array<i32>} : memref<2048xf32, #tpu.memory_space<vmem>>, vector<16xf32>,
    tpu.vector_store %arg5[%swap3A_155], %broadcast_in_dim3A_1 {strides = array<i32>} : memref<2048xf32, #tpu.memory_space<vmem>>, vector<16xf32>,
    %swap3A_157 = arith.constant 1248 : index
    %swap3A_158 = tpu.vector_load %arg5[%swap3A_157] {strides = array<i32>} : memref<2048xf32, #tpu.memory_space<vmem>>, vector<16xf32>,
    tpu.vector_store %arg5[%swap3A_157], %broadcast_in_dim3A_1 {strides = array<i32>} : memref<2048xf32, #tpu.memory_space<vmem>>, vector<16xf32>,
    %swap3A_159 = arith.constant 1264 : index
    %swap3A_160 = tpu.vector_load %arg5[%swap3A_159] {strides = array<i32>} : memref<2048xf32, #tpu.memory_space<vmem>>, vector<16xf32>,
    tpu.vector_store %arg5[%swap3A_159], %broadcast_in_dim3A_1 {strides = array<i32>} : memref<2048xf32, #tpu.memory_space<vmem>>, vector<16xf32>,
    %swap3A_161 = arith.constant 1280 : index
    %swap3A_162 = tpu.vector_load %arg5[%swap3A_161] {strides = array<i32>} : memref<2048xf32, #tpu.memory_space<vmem>>, vector<16xf32>,
    tpu.vector_store %arg5[%swap3A_161], %broadcast_in_dim3A_1 {strides = array<i32>} : memref<2048xf32, #tpu.memory_space<vmem>>, vector<16xf32>,
    %swap3A_163 = arith.constant 1296 : index
    %swap3A_164 = tpu.vector_load %arg5[%swap3A_163] {strides = array<i32>} : memref<2048xf32, #tpu.memory_space<vmem>>, vector<16xf32>,
    tpu.vector_store %arg5[%swap3A_163], %broadcast_in_dim3A_1 {strides = array<i32>} : memref<2048xf32, #tpu.memory_space<vmem>>, vector<16xf32>,
    %swap3A_165 = arith.constant 1312 : index
    %swap3A_166 = tpu.vector_load %arg5[%swap3A_165] {strides = array<i32>} : memref<2048xf32, #tpu.memory_space<vmem>>, vector<16xf32>,
    tpu.vector_store %arg5[%swap3A_165], %broadcast_in_dim3A_1 {strides = array<i32>} : memref<2048xf32, #tpu.memory_space<vmem>>, vector<16xf32>,
    %swap3A_167 = arith.constant 1328 : index
    %swap3A_168 = tpu.vector_load %arg5[%swap3A_167] {strides = array<i32>} : memref<2048xf32, #tpu.memory_space<vmem>>, vector<16xf32>,
    tpu.vector_store %arg5[%swap3A_167], %broadcast_in_dim3A_1 {strides = array<i32>} : memref<2048xf32, #tpu.memory_space<vmem>>, vector<16xf32>,
    %swap3A_169 = arith.constant 1344 : index
    %swap3A_170 = tpu.vector_load %arg5[%swap3A_169] {strides = array<i32>} : memref<2048xf32, #tpu.memory_space<vmem>>, vector<16xf32>,
    tpu.vector_store %arg5[%swap3A_169], %broadcast_in_dim3A_1 {strides = array<i32>} : memref<2048xf32, #tpu.memory_space<vmem>>, vector<16xf32>,
    %swap3A_171 = arith.constant 1360 : index
    %swap3A_172 = tpu.vector_load %arg5[%swap3A_171] {strides = array<i32>} : memref<2048xf32, #tpu.memory_space<vmem>>, vector<16xf32>,
    tpu.vector_store %arg5[%swap3A_171], %broadcast_in_dim3A_1 {strides = array<i32>} : memref<2048xf32, #tpu.memory_space<vmem>>, vector<16xf32>,
    %swap3A_173 = arith.constant 1376 : index
    %swap3A_174 = tpu.vector_load %arg5[%swap3A_173] {strides = array<i32>} : memref<2048xf32, #tpu.memory_space<vmem>>, vector<16xf32>,
    tpu.vector_store %arg5[%swap3A_173], %broadcast_in_dim3A_1 {strides = array<i32>} : memref<2048xf32, #tpu.memory_space<vmem>>, vector<16xf32>,
    %swap3A_175 = arith.constant 1392 : index
    %swap3A_176 = tpu.vector_load %arg5[%swap3A_175] {strides = array<i32>} : memref<2048xf32, #tpu.memory_space<vmem>>, vector<16xf32>,
    tpu.vector_store %arg5[%swap3A_175], %broadcast_in_dim3A_1 {strides = array<i32>} : memref<2048xf32, #tpu.memory_space<vmem>>, vector<16xf32>,
    %swap3A_177 = arith.constant 1408 : index
    %swap3A_178 = tpu.vector_load %arg5[%swap3A_177] {strides = array<i32>} : memref<2048xf32, #tpu.memory_space<vmem>>, vector<16xf32>,
    tpu.vector_store %arg5[%swap3A_177], %broadcast_in_dim3A_1 {strides = array<i32>} : memref<2048xf32, #tpu.memory_space<vmem>>, vector<16xf32>,
    %swap3A_179 = arith.constant 1424 : index
    %swap3A_180 = tpu.vector_load %arg5[%swap3A_179] {strides = array<i32>} : memref<2048xf32, #tpu.memory_space<vmem>>, vector<16xf32>,
    tpu.vector_store %arg5[%swap3A_179], %broadcast_in_dim3A_1 {strides = array<i32>} : memref<2048xf32, #tpu.memory_space<vmem>>, vector<16xf32>,
    %swap3A_181 = arith.constant 1440 : index
    %swap3A_182 = tpu.vector_load %arg5[%swap3A_181] {strides = array<i32>} : memref<2048xf32, #tpu.memory_space<vmem>>, vector<16xf32>,
    tpu.vector_store %arg5[%swap3A_181], %broadcast_in_dim3A_1 {strides = array<i32>} : memref<2048xf32, #tpu.memory_space<vmem>>, vector<16xf32>,
    %swap3A_183 = arith.constant 1456 : index
    %swap3A_184 = tpu.vector_load %arg5[%swap3A_183] {strides = array<i32>} : memref<2048xf32, #tpu.memory_space<vmem>>, vector<16xf32>,
    tpu.vector_store %arg5[%swap3A_183], %broadcast_in_dim3A_1 {strides = array<i32>} : memref<2048xf32, #tpu.memory_space<vmem>>, vector<16xf32>,
    %swap3A_185 = arith.constant 1472 : index
    %swap3A_186 = tpu.vector_load %arg5[%swap3A_185] {strides = array<i32>} : memref<2048xf32, #tpu.memory_space<vmem>>, vector<16xf32>,
    tpu.vector_store %arg5[%swap3A_185], %broadcast_in_dim3A_1 {strides = array<i32>} : memref<2048xf32, #tpu.memory_space<vmem>>, vector<16xf32>,
    %swap3A_187 = arith.constant 1488 : index
    %swap3A_188 = tpu.vector_load %arg5[%swap3A_187] {strides = array<i32>} : memref<2048xf32, #tpu.memory_space<vmem>>, vector<16xf32>,
    tpu.vector_store %arg5[%swap3A_187], %broadcast_in_dim3A_1 {strides = array<i32>} : memref<2048xf32, #tpu.memory_space<vmem>>, vector<16xf32>,
    %swap3A_189 = arith.constant 1504 : index
    %swap3A_190 = tpu.vector_load %arg5[%swap3A_189] {strides = array<i32>} : memref<2048xf32, #tpu.memory_space<vmem>>, vector<16xf32>,
    tpu.vector_store %arg5[%swap3A_189], %broadcast_in_dim3A_1 {strides = array<i32>} : memref<2048xf32, #tpu.memory_space<vmem>>, vector<16xf32>,
    %swap3A_191 = arith.constant 1520 : index
    %swap3A_192 = tpu.vector_load %arg5[%swap3A_191] {strides = array<i32>} : memref<2048xf32, #tpu.memory_space<vmem>>, vector<16xf32>,
    tpu.vector_store %arg5[%swap3A_191], %broadcast_in_dim3A_1 {strides = array<i32>} : memref<2048xf32, #tpu.memory_space<vmem>>, vector<16xf32>,
    %swap3A_193 = arith.constant 1536 : index
    %swap3A_194 = tpu.vector_load %arg5[%swap3A_193] {strides = array<i32>} : memref<2048xf32, #tpu.memory_space<vmem>>, vector<16xf32>,
    tpu.vector_store %arg5[%swap3A_193], %broadcast_in_dim3A_1 {strides = array<i32>} : memref<2048xf32, #tpu.memory_space<vmem>>, vector<16xf32>,
    %swap3A_195 = arith.constant 1552 : index
    %swap3A_196 = tpu.vector_load %arg5[%swap3A_195] {strides = array<i32>} : memref<2048xf32, #tpu.memory_space<vmem>>, vector<16xf32>,
    tpu.vector_store %arg5[%swap3A_195], %broadcast_in_dim3A_1 {strides = array<i32>} : memref<2048xf32, #tpu.memory_space<vmem>>, vector<16xf32>,
    %swap3A_197 = arith.constant 1568 : index
    %swap3A_198 = tpu.vector_load %arg5[%swap3A_197] {strides = array<i32>} : memref<2048xf32, #tpu.memory_space<vmem>>, vector<16xf32>,
    tpu.vector_store %arg5[%swap3A_197], %broadcast_in_dim3A_1 {strides = array<i32>} : memref<2048xf32, #tpu.memory_space<vmem>>, vector<16xf32>,
    %swap3A_199 = arith.constant 1584 : index
    %swap3A_200 = tpu.vector_load %arg5[%swap3A_199] {strides = array<i32>} : memref<2048xf32, #tpu.memory_space<vmem>>, vector<16xf32>,
    tpu.vector_store %arg5[%swap3A_199], %broadcast_in_dim3A_1 {strides = array<i32>} : memref<2048xf32, #tpu.memory_space<vmem>>, vector<16xf32>,
    %swap3A_201 = arith.constant 1600 : index
    %swap3A_202 = tpu.vector_load %arg5[%swap3A_201] {strides = array<i32>} : memref<2048xf32, #tpu.memory_space<vmem>>, vector<16xf32>,
    tpu.vector_store %arg5[%swap3A_201], %broadcast_in_dim3A_1 {strides = array<i32>} : memref<2048xf32, #tpu.memory_space<vmem>>, vector<16xf32>,
    %swap3A_203 = arith.constant 1616 : index
    %swap3A_204 = tpu.vector_load %arg5[%swap3A_203] {strides = array<i32>} : memref<2048xf32, #tpu.memory_space<vmem>>, vector<16xf32>,
    tpu.vector_store %arg5[%swap3A_203], %broadcast_in_dim3A_1 {strides = array<i32>} : memref<2048xf32, #tpu.memory_space<vmem>>, vector<16xf32>,
    %swap3A_205 = arith.constant 1632 : index
    %swap3A_206 = tpu.vector_load %arg5[%swap3A_205] {strides = array<i32>} : memref<2048xf32, #tpu.memory_space<vmem>>, vector<16xf32>,
    tpu.vector_store %arg5[%swap3A_205], %broadcast_in_dim3A_1 {strides = array<i32>} : memref<2048xf32, #tpu.memory_space<vmem>>, vector<16xf32>,
    %swap3A_207 = arith.constant 1648 : index
    %swap3A_208 = tpu.vector_load %arg5[%swap3A_207] {strides = array<i32>} : memref<2048xf32, #tpu.memory_space<vmem>>, vector<16xf32>,
    tpu.vector_store %arg5[%swap3A_207], %broadcast_in_dim3A_1 {strides = array<i32>} : memref<2048xf32, #tpu.memory_space<vmem>>, vector<16xf32>,
    %swap3A_209 = arith.constant 1664 : index
    %swap3A_210 = tpu.vector_load %arg5[%swap3A_209] {strides = array<i32>} : memref<2048xf32, #tpu.memory_space<vmem>>, vector<16xf32>,
    tpu.vector_store %arg5[%swap3A_209], %broadcast_in_dim3A_1 {strides = array<i32>} : memref<2048xf32, #tpu.memory_space<vmem>>, vector<16xf32>,
    %swap3A_211 = arith.constant 1680 : index
    %swap3A_212 = tpu.vector_load %arg5[%swap3A_211] {strides = array<i32>} : memref<2048xf32, #tpu.memory_space<vmem>>, vector<16xf32>,
    tpu.vector_store %arg5[%swap3A_211], %broadcast_in_dim3A_1 {strides = array<i32>} : memref<2048xf32, #tpu.memory_space<vmem>>, vector<16xf32>,
    %swap3A_213 = arith.constant 1696 : index
    %swap3A_214 = tpu.vector_load %arg5[%swap3A_213] {strides = array<i32>} : memref<2048xf32, #tpu.memory_space<vmem>>, vector<16xf32>,
    tpu.vector_store %arg5[%swap3A_213], %broadcast_in_dim3A_1 {strides = array<i32>} : memref<2048xf32, #tpu.memory_space<vmem>>, vector<16xf32>,
    %swap3A_215 = arith.constant 1712 : index
    %swap3A_216 = tpu.vector_load %arg5[%swap3A_215] {strides = array<i32>} : memref<2048xf32, #tpu.memory_space<vmem>>, vector<16xf32>,
    tpu.vector_store %arg5[%swap3A_215], %broadcast_in_dim3A_1 {strides = array<i32>} : memref<2048xf32, #tpu.memory_space<vmem>>, vector<16xf32>,
    %swap3A_217 = arith.constant 1728 : index
    %swap3A_218 = tpu.vector_load %arg5[%swap3A_217] {strides = array<i32>} : memref<2048xf32, #tpu.memory_space<vmem>>, vector<16xf32>,
    tpu.vector_store %arg5[%swap3A_217], %broadcast_in_dim3A_1 {strides = array<i32>} : memref<2048xf32, #tpu.memory_space<vmem>>, vector<16xf32>,
    %swap3A_219 = arith.constant 1744 : index
    %swap3A_220 = tpu.vector_load %arg5[%swap3A_219] {strides = array<i32>} : memref<2048xf32, #tpu.memory_space<vmem>>, vector<16xf32>,
    tpu.vector_store %arg5[%swap3A_219], %broadcast_in_dim3A_1 {strides = array<i32>} : memref<2048xf32, #tpu.memory_space<vmem>>, vector<16xf32>,
    %swap3A_221 = arith.constant 1760 : index
    %swap3A_222 = tpu.vector_load %arg5[%swap3A_221] {strides = array<i32>} : memref<2048xf32, #tpu.memory_space<vmem>>, vector<16xf32>,
    tpu.vector_store %arg5[%swap3A_221], %broadcast_in_dim3A_1 {strides = array<i32>} : memref<2048xf32, #tpu.memory_space<vmem>>, vector<16xf32>,
    %swap3A_223 = arith.constant 1776 : index
    %swap3A_224 = tpu.vector_load %arg5[%swap3A_223] {strides = array<i32>} : memref<2048xf32, #tpu.memory_space<vmem>>, vector<16xf32>,
    tpu.vector_store %arg5[%swap3A_223], %broadcast_in_dim3A_1 {strides = array<i32>} : memref<2048xf32, #tpu.memory_space<vmem>>, vector<16xf32>,
    %swap3A_225 = arith.constant 1792 : index
    %swap3A_226 = tpu.vector_load %arg5[%swap3A_225] {strides = array<i32>} : memref<2048xf32, #tpu.memory_space<vmem>>, vector<16xf32>,
    tpu.vector_store %arg5[%swap3A_225], %broadcast_in_dim3A_1 {strides = array<i32>} : memref<2048xf32, #tpu.memory_space<vmem>>, vector<16xf32>,
    %swap3A_227 = arith.constant 1808 : index
    %swap3A_228 = tpu.vector_load %arg5[%swap3A_227] {strides = array<i32>} : memref<2048xf32, #tpu.memory_space<vmem>>, vector<16xf32>,
    tpu.vector_store %arg5[%swap3A_227], %broadcast_in_dim3A_1 {strides = array<i32>} : memref<2048xf32, #tpu.memory_space<vmem>>, vector<16xf32>,
    %swap3A_229 = arith.constant 1824 : index
    %swap3A_230 = tpu.vector_load %arg5[%swap3A_229] {strides = array<i32>} : memref<2048xf32, #tpu.memory_space<vmem>>, vector<16xf32>,
    tpu.vector_store %arg5[%swap3A_229], %broadcast_in_dim3A_1 {strides = array<i32>} : memref<2048xf32, #tpu.memory_space<vmem>>, vector<16xf32>,
    %swap3A_231 = arith.constant 1840 : index
    %swap3A_232 = tpu.vector_load %arg5[%swap3A_231] {strides = array<i32>} : memref<2048xf32, #tpu.memory_space<vmem>>, vector<16xf32>,
    tpu.vector_store %arg5[%swap3A_231], %broadcast_in_dim3A_1 {strides = array<i32>} : memref<2048xf32, #tpu.memory_space<vmem>>, vector<16xf32>,
    %swap3A_233 = arith.constant 1856 : index
    %swap3A_234 = tpu.vector_load %arg5[%swap3A_233] {strides = array<i32>} : memref<2048xf32, #tpu.memory_space<vmem>>, vector<16xf32>,
    tpu.vector_store %arg5[%swap3A_233], %broadcast_in_dim3A_1 {strides = array<i32>} : memref<2048xf32, #tpu.memory_space<vmem>>, vector<16xf32>,
    %swap3A_235 = arith.constant 1872 : index
    %swap3A_236 = tpu.vector_load %arg5[%swap3A_235] {strides = array<i32>} : memref<2048xf32, #tpu.memory_space<vmem>>, vector<16xf32>,
    tpu.vector_store %arg5[%swap3A_235], %broadcast_in_dim3A_1 {strides = array<i32>} : memref<2048xf32, #tpu.memory_space<vmem>>, vector<16xf32>,
    %swap3A_237 = arith.constant 1888 : index
    %swap3A_238 = tpu.vector_load %arg5[%swap3A_237] {strides = array<i32>} : memref<2048xf32, #tpu.memory_space<vmem>>, vector<16xf32>,
    tpu.vector_store %arg5[%swap3A_237], %broadcast_in_dim3A_1 {strides = array<i32>} : memref<2048xf32, #tpu.memory_space<vmem>>, vector<16xf32>,
    %swap3A_239 = arith.constant 1904 : index
    %swap3A_240 = tpu.vector_load %arg5[%swap3A_239] {strides = array<i32>} : memref<2048xf32, #tpu.memory_space<vmem>>, vector<16xf32>,
    tpu.vector_store %arg5[%swap3A_239], %broadcast_in_dim3A_1 {strides = array<i32>} : memref<2048xf32, #tpu.memory_space<vmem>>, vector<16xf32>,
    %swap3A_241 = arith.constant 1920 : index
    %swap3A_242 = tpu.vector_load %arg5[%swap3A_241] {strides = array<i32>} : memref<2048xf32, #tpu.memory_space<vmem>>, vector<16xf32>,
    tpu.vector_store %arg5[%swap3A_241], %broadcast_in_dim3A_1 {strides = array<i32>} : memref<2048xf32, #tpu.memory_space<vmem>>, vector<16xf32>,
    %swap3A_243 = arith.constant 1936 : index
    %swap3A_244 = tpu.vector_load %arg5[%swap3A_243] {strides = array<i32>} : memref<2048xf32, #tpu.memory_space<vmem>>, vector<16xf32>,
    tpu.vector_store %arg5[%swap3A_243], %broadcast_in_dim3A_1 {strides = array<i32>} : memref<2048xf32, #tpu.memory_space<vmem>>, vector<16xf32>,
    %swap3A_245 = arith.constant 1952 : index
    %swap3A_246 = tpu.vector_load %arg5[%swap3A_245] {strides = array<i32>} : memref<2048xf32, #tpu.memory_space<vmem>>, vector<16xf32>,
    tpu.vector_store %arg5[%swap3A_245], %broadcast_in_dim3A_1 {strides = array<i32>} : memref<2048xf32, #tpu.memory_space<vmem>>, vector<16xf32>,
    %swap3A_247 = arith.constant 1968 : index
    %swap3A_248 = tpu.vector_load %arg5[%swap3A_247] {strides = array<i32>} : memref<2048xf32, #tpu.memory_space<vmem>>, vector<16xf32>,
    tpu.vector_store %arg5[%swap3A_247], %broadcast_in_dim3A_1 {strides = array<i32>} : memref<2048xf32, #tpu.memory_space<vmem>>, vector<16xf32>,
    %swap3A_249 = arith.constant 1984 : index
    %swap3A_250 = tpu.vector_load %arg5[%swap3A_249] {strides = array<i32>} : memref<2048xf32, #tpu.memory_space<vmem>>, vector<16xf32>,
    tpu.vector_store %arg5[%swap3A_249], %broadcast_in_dim3A_1 {strides = array<i32>} : memref<2048xf32, #tpu.memory_space<vmem>>, vector<16xf32>,
    %swap3A_251 = arith.constant 2000 : index
    %swap3A_252 = tpu.vector_load %arg5[%swap3A_251] {strides = array<i32>} : memref<2048xf32, #tpu.memory_space<vmem>>, vector<16xf32>,
    tpu.vector_store %arg5[%swap3A_251], %broadcast_in_dim3A_1 {strides = array<i32>} : memref<2048xf32, #tpu.memory_space<vmem>>, vector<16xf32>,
    %swap3A_253 = arith.constant 2016 : index
    %swap3A_254 = tpu.vector_load %arg5[%swap3A_253] {strides = array<i32>} : memref<2048xf32, #tpu.memory_space<vmem>>, vector<16xf32>,
    tpu.vector_store %arg5[%swap3A_253], %broadcast_in_dim3A_1 {strides = array<i32>} : memref<2048xf32, #tpu.memory_space<vmem>>, vector<16xf32>,
    %swap3A_255 = arith.constant 2032 : index
    %swap3A_256 = tpu.vector_load %arg5[%swap3A_255] {strides = array<i32>} : memref<2048xf32, #tpu.memory_space<vmem>>, vector<16xf32>,
    tpu.vector_store %arg5[%swap3A_255], %broadcast_in_dim3A_1 {strides = array<i32>} : memref<2048xf32, #tpu.memory_space<vmem>>, vector<16xf32>,
    %lt3A = arith.constant 25 : i32
    %lt3A_257 = arith.cmpi slt, %add3A, %lt3A : i32
    %convert_element_type3A = arith.extui %lt3A_257 : i1 to i32
    %cond3A = arith.constant 0 : i32
    %cond3A_258 = arith.cmpi ne, %convert_element_type3A, %cond3A : i32
    scf.if %cond3A_258 {
      %mul3A_264 = arith.constant 4 : i32
      %mul3A_265 = arith.muli %add3A, %mul3A_264 : i32
      %mul3A_266 = arith.constant 64 : i32
      %mul3A_267 = arith.muli %mul3A_265, %mul3A_266 : i32
      "tpu.region"() ({
        %run_scoped3A = tpu.sem_alloc : memref<!tpu.dma_semaphore, #tpu.memory_space<semaphore_mem>>
        %dma_start3A = tpu.memref_slice %arg2[%mul3A_267] : memref<6400xi32, #tpu.memory_space<hbm>> -> memref<256xi32, #tpu.memory_space<hbm>>
        %dma_start3A_349 = tpu.memref_slice %arg2[%mul3A_267] : memref<6400xi32, #tpu.memory_space<hbm>> -> memref<256xi32, #tpu.memory_space<hbm>>
        tpu.enqueue_dma source(%dma_start3A_349 : memref<256xi32, #tpu.memory_space<hbm>>) target(%arg4 : memref<256xi32, #tpu.memory_space<vmem>>) target_semaphore(%run_scoped3A : memref<!tpu.dma_semaphore, #tpu.memory_space<semaphore_mem>>)
        %dma_wait3A = tpu.memref_slice %arg2[%mul3A_267] : memref<6400xi32, #tpu.memory_space<hbm>> -> memref<256xi32, #tpu.memory_space<hbm>>
        %dma_wait3A_350 = tpu.memref_slice %arg2[%mul3A_267] : memref<6400xi32, #tpu.memory_space<hbm>> -> memref<256xi32, #tpu.memory_space<hbm>>
        tpu.wait_dma2 semaphore(%run_scoped3A : memref<!tpu.dma_semaphore, #tpu.memory_space<semaphore_mem>>) src(%dma_wait3A_350 : memref<256xi32, #tpu.memory_space<hbm>>) dst(%arg4 : memref<256xi32, #tpu.memory_space<vmem>>)
        tpu.yield
      }) : () -> ()
      %broadcast_in_dim3A_268 = arith.constant 1.000000e+00 : f32
      %broadcast_in_dim3A_269 = vector.broadcast %broadcast_in_dim3A_268 : f32 to vector<16xf32>
      %get3A = arith.constant 0 : index
      %get3A_270 = tpu.vector_load %arg4[%get3A] {strides = array<i32>} : memref<256xi32, #tpu.memory_space<vmem>>, vector<16xi32>,
      %add3A_271 = arith.constant 0 : i32
      %add3A_272 = vector.broadcast %add3A_271 : i32 to vector<16xi32>
      %add3A_273 = arith.addi %get3A_270, %add3A_272 : vector<16xi32>
      tpu.vector_store_idx %arg5[%add3A_273], %broadcast_in_dim3A_269 : memref<2048xf32, #tpu.memory_space<vmem>>[vector<16xi32>], vector<16xf32>,
      %get3A_274 = arith.constant 16 : index
      %get3A_275 = tpu.vector_load %arg4[%get3A_274] {strides = array<i32>} : memref<256xi32, #tpu.memory_space<vmem>>, vector<16xi32>,
      %add3A_276 = arith.constant 0 : i32
      %add3A_277 = vector.broadcast %add3A_276 : i32 to vector<16xi32>
      %add3A_278 = arith.addi %get3A_275, %add3A_277 : vector<16xi32>
      tpu.vector_store_idx %arg5[%add3A_278], %broadcast_in_dim3A_269 : memref<2048xf32, #tpu.memory_space<vmem>>[vector<16xi32>], vector<16xf32>,
      %get3A_279 = arith.constant 32 : index
      %get3A_280 = tpu.vector_load %arg4[%get3A_279] {strides = array<i32>} : memref<256xi32, #tpu.memory_space<vmem>>, vector<16xi32>,
      %add3A_281 = arith.constant 0 : i32
      %add3A_282 = vector.broadcast %add3A_281 : i32 to vector<16xi32>
      %add3A_283 = arith.addi %get3A_280, %add3A_282 : vector<16xi32>
      tpu.vector_store_idx %arg5[%add3A_283], %broadcast_in_dim3A_269 : memref<2048xf32, #tpu.memory_space<vmem>>[vector<16xi32>], vector<16xf32>,
      %get3A_284 = arith.constant 48 : index
      %get3A_285 = tpu.vector_load %arg4[%get3A_284] {strides = array<i32>} : memref<256xi32, #tpu.memory_space<vmem>>, vector<16xi32>,
      %add3A_286 = arith.constant 0 : i32
      %add3A_287 = vector.broadcast %add3A_286 : i32 to vector<16xi32>
      %add3A_288 = arith.addi %get3A_285, %add3A_287 : vector<16xi32>
      tpu.vector_store_idx %arg5[%add3A_288], %broadcast_in_dim3A_269 : memref<2048xf32, #tpu.memory_space<vmem>>[vector<16xi32>], vector<16xf32>,
      %get3A_289 = arith.constant 64 : index
      %get3A_290 = tpu.vector_load %arg4[%get3A_289] {strides = array<i32>} : memref<256xi32, #tpu.memory_space<vmem>>, vector<16xi32>,
      %add3A_291 = arith.constant 512 : i32
      %add3A_292 = vector.broadcast %add3A_291 : i32 to vector<16xi32>
      %add3A_293 = arith.addi %get3A_290, %add3A_292 : vector<16xi32>
      tpu.vector_store_idx %arg5[%add3A_293], %broadcast_in_dim3A_269 : memref<2048xf32, #tpu.memory_space<vmem>>[vector<16xi32>], vector<16xf32>,
      %get3A_294 = arith.constant 80 : index
      %get3A_295 = tpu.vector_load %arg4[%get3A_294] {strides = array<i32>} : memref<256xi32, #tpu.memory_space<vmem>>, vector<16xi32>,
      %add3A_296 = arith.constant 512 : i32
      %add3A_297 = vector.broadcast %add3A_296 : i32 to vector<16xi32>
      %add3A_298 = arith.addi %get3A_295, %add3A_297 : vector<16xi32>
      tpu.vector_store_idx %arg5[%add3A_298], %broadcast_in_dim3A_269 : memref<2048xf32, #tpu.memory_space<vmem>>[vector<16xi32>], vector<16xf32>,
      %get3A_299 = arith.constant 96 : index
      %get3A_300 = tpu.vector_load %arg4[%get3A_299] {strides = array<i32>} : memref<256xi32, #tpu.memory_space<vmem>>, vector<16xi32>,
      %add3A_301 = arith.constant 512 : i32
      %add3A_302 = vector.broadcast %add3A_301 : i32 to vector<16xi32>
      %add3A_303 = arith.addi %get3A_300, %add3A_302 : vector<16xi32>
      tpu.vector_store_idx %arg5[%add3A_303], %broadcast_in_dim3A_269 : memref<2048xf32, #tpu.memory_space<vmem>>[vector<16xi32>], vector<16xf32>,
      %get3A_304 = arith.constant 112 : index
      %get3A_305 = tpu.vector_load %arg4[%get3A_304] {strides = array<i32>} : memref<256xi32, #tpu.memory_space<vmem>>, vector<16xi32>,
      %add3A_306 = arith.constant 512 : i32
      %add3A_307 = vector.broadcast %add3A_306 : i32 to vector<16xi32>
      %add3A_308 = arith.addi %get3A_305, %add3A_307 : vector<16xi32>
      tpu.vector_store_idx %arg5[%add3A_308], %broadcast_in_dim3A_269 : memref<2048xf32, #tpu.memory_space<vmem>>[vector<16xi32>], vector<16xf32>,
      %get3A_309 = arith.constant 128 : index
      %get3A_310 = tpu.vector_load %arg4[%get3A_309] {strides = array<i32>} : memref<256xi32, #tpu.memory_space<vmem>>, vector<16xi32>,
      %add3A_311 = arith.constant 1024 : i32
      %add3A_312 = vector.broadcast %add3A_311 : i32 to vector<16xi32>
      %add3A_313 = arith.addi %get3A_310, %add3A_312 : vector<16xi32>
      tpu.vector_store_idx %arg5[%add3A_313], %broadcast_in_dim3A_269 : memref<2048xf32, #tpu.memory_space<vmem>>[vector<16xi32>], vector<16xf32>,
      %get3A_314 = arith.constant 144 : index
      %get3A_315 = tpu.vector_load %arg4[%get3A_314] {strides = array<i32>} : memref<256xi32, #tpu.memory_space<vmem>>, vector<16xi32>,
      %add3A_316 = arith.constant 1024 : i32
      %add3A_317 = vector.broadcast %add3A_316 : i32 to vector<16xi32>
      %add3A_318 = arith.addi %get3A_315, %add3A_317 : vector<16xi32>
      tpu.vector_store_idx %arg5[%add3A_318], %broadcast_in_dim3A_269 : memref<2048xf32, #tpu.memory_space<vmem>>[vector<16xi32>], vector<16xf32>,
      %get3A_319 = arith.constant 160 : index
      %get3A_320 = tpu.vector_load %arg4[%get3A_319] {strides = array<i32>} : memref<256xi32, #tpu.memory_space<vmem>>, vector<16xi32>,
      %add3A_321 = arith.constant 1024 : i32
      %add3A_322 = vector.broadcast %add3A_321 : i32 to vector<16xi32>
      %add3A_323 = arith.addi %get3A_320, %add3A_322 : vector<16xi32>
      tpu.vector_store_idx %arg5[%add3A_323], %broadcast_in_dim3A_269 : memref<2048xf32, #tpu.memory_space<vmem>>[vector<16xi32>], vector<16xf32>,
      %get3A_324 = arith.constant 176 : index
      %get3A_325 = tpu.vector_load %arg4[%get3A_324] {strides = array<i32>} : memref<256xi32, #tpu.memory_space<vmem>>, vector<16xi32>,
      %add3A_326 = arith.constant 1024 : i32
      %add3A_327 = vector.broadcast %add3A_326 : i32 to vector<16xi32>
      %add3A_328 = arith.addi %get3A_325, %add3A_327 : vector<16xi32>
      tpu.vector_store_idx %arg5[%add3A_328], %broadcast_in_dim3A_269 : memref<2048xf32, #tpu.memory_space<vmem>>[vector<16xi32>], vector<16xf32>,
      %get3A_329 = arith.constant 192 : index
      %get3A_330 = tpu.vector_load %arg4[%get3A_329] {strides = array<i32>} : memref<256xi32, #tpu.memory_space<vmem>>, vector<16xi32>,
      %add3A_331 = arith.constant 1536 : i32
      %add3A_332 = vector.broadcast %add3A_331 : i32 to vector<16xi32>
      %add3A_333 = arith.addi %get3A_330, %add3A_332 : vector<16xi32>
      tpu.vector_store_idx %arg5[%add3A_333], %broadcast_in_dim3A_269 : memref<2048xf32, #tpu.memory_space<vmem>>[vector<16xi32>], vector<16xf32>,
      %get3A_334 = arith.constant 208 : index
      %get3A_335 = tpu.vector_load %arg4[%get3A_334] {strides = array<i32>} : memref<256xi32, #tpu.memory_space<vmem>>, vector<16xi32>,
      %add3A_336 = arith.constant 1536 : i32
      %add3A_337 = vector.broadcast %add3A_336 : i32 to vector<16xi32>
      %add3A_338 = arith.addi %get3A_335, %add3A_337 : vector<16xi32>
      tpu.vector_store_idx %arg5[%add3A_338], %broadcast_in_dim3A_269 : memref<2048xf32, #tpu.memory_space<vmem>>[vector<16xi32>], vector<16xf32>,
      %get3A_339 = arith.constant 224 : index
      %get3A_340 = tpu.vector_load %arg4[%get3A_339] {strides = array<i32>} : memref<256xi32, #tpu.memory_space<vmem>>, vector<16xi32>,
      %add3A_341 = arith.constant 1536 : i32
      %add3A_342 = vector.broadcast %add3A_341 : i32 to vector<16xi32>
      %add3A_343 = arith.addi %get3A_340, %add3A_342 : vector<16xi32>
      tpu.vector_store_idx %arg5[%add3A_343], %broadcast_in_dim3A_269 : memref<2048xf32, #tpu.memory_space<vmem>>[vector<16xi32>], vector<16xf32>,
      %get3A_344 = arith.constant 240 : index
      %get3A_345 = tpu.vector_load %arg4[%get3A_344] {strides = array<i32>} : memref<256xi32, #tpu.memory_space<vmem>>, vector<16xi32>,
      %add3A_346 = arith.constant 1536 : i32
      %add3A_347 = vector.broadcast %add3A_346 : i32 to vector<16xi32>
      %add3A_348 = arith.addi %get3A_345, %add3A_347 : vector<16xi32>
      tpu.vector_store_idx %arg5[%add3A_348], %broadcast_in_dim3A_269 : memref<2048xf32, #tpu.memory_space<vmem>>[vector<16xi32>], vector<16xf32>,
    } else {
    }
    %lt3A_259 = arith.constant 26 : i32
    %lt3A_260 = arith.cmpi slt, %add3A, %lt3A_259 : i32
    %convert_element_type3A_261 = arith.extui %lt3A_260 : i1 to i32
    %cond3A_262 = arith.constant 0 : i32
    %cond3A_263 = arith.cmpi ne, %convert_element_type3A_261, %cond3A_262 : i32
    scf.if %cond3A_263 {
      %mul3A_264 = arith.constant 4 : i32
      %mul3A_265 = arith.muli %add3A, %mul3A_264 : i32
      %mul3A_266 = arith.constant 512 : i32
      %mul3A_267 = arith.muli %mul3A_265, %mul3A_266 : i32
      "tpu.region"() ({
        %run_scoped3A = tpu.sem_alloc : memref<!tpu.dma_semaphore, #tpu.memory_space<semaphore_mem>>
        %dma_start3A = tpu.memref_slice %arg3[%mul3A_267] : memref<53248xf32, #tpu.memory_space<hbm>> -> memref<2048xf32, #tpu.memory_space<hbm>>
        %dma_start3A_268 = tpu.memref_slice %arg3[%mul3A_267] : memref<53248xf32, #tpu.memory_space<hbm>> -> memref<2048xf32, #tpu.memory_space<hbm>>
        tpu.enqueue_dma source(%arg5 : memref<2048xf32, #tpu.memory_space<vmem>>) target(%dma_start3A_268 : memref<2048xf32, #tpu.memory_space<hbm>>) target_semaphore(%run_scoped3A : memref<!tpu.dma_semaphore, #tpu.memory_space<semaphore_mem>>)
        %dma_wait3A = tpu.memref_slice %arg3[%mul3A_267] : memref<53248xf32, #tpu.memory_space<hbm>> -> memref<2048xf32, #tpu.memory_space<hbm>>
        %dma_wait3A_269 = tpu.memref_slice %arg3[%mul3A_267] : memref<53248xf32, #tpu.memory_space<hbm>> -> memref<2048xf32, #tpu.memory_space<hbm>>
        tpu.wait_dma2 semaphore(%run_scoped3A : memref<!tpu.dma_semaphore, #tpu.memory_space<semaphore_mem>>) src(%arg5 : memref<2048xf32, #tpu.memory_space<vmem>>) dst(%dma_wait3A_269 : memref<2048xf32, #tpu.memory_space<hbm>>)
        tpu.yield
      }) : () -> ()
    } else {
    }
    return
  }
}

module attributes {stable_mosaic.version = 14 : i64} {
  func.func @_forest_kernel(%arg0: i32, %arg1: memref<104x512xf32, #tpu.memory_space<vmem>>, %arg2: memref<32x1x512xf32, #tpu.memory_space<vmem>>, %arg3: memref<32x512x128xf32, #tpu.memory_space<vmem>>, %arg4: memref<100x32x128xf32, #tpu.memory_space<vmem>>) attributes {dimension_semantics = [#tpu.dimension_semantics<arbitrary>], iteration_bounds = array<i64: 4>, scalar_prefetch = 0 : i64, scratch_operands = 0 : i64, tpu.core_type = #tpu.core_type<tc>, window_params = [{pipeline_mode = #tpu.pipeline_mode<synchronous>, transform_indices = @transform_0, window_bounds = array<i64: 104, 512>}, {transform_indices = @transform_1, window_bounds = array<i64: 32, 1, 512>}, {transform_indices = @transform_2, window_bounds = array<i64: 32, 512, 128>}, {transform_indices = @transform_3, window_bounds = array<i64: 100, 32, 128>}]} {
    %get3A = arith.constant 0 : index
    %get3A_0 = arith.constant 0 : index
    %get3A_1 = arith.constant 0 : index
    %get3A_2 = vector.load %arg2[%get3A, %get3A_0, %get3A_1] : memref<32x1x512xf32, #tpu.memory_space<vmem>>, vector<1x1x512xf32>
    %get3A_3 = vector.shape_cast %get3A_2 : vector<1x1x512xf32> to vector<1x512xf32>
    %reduce_max3A = vector.shape_cast %get3A_3 : vector<1x512xf32> to vector<1x1x512xf32>
    %reduce_max3A_4 = arith.constant dense<0xFF800000> : vector<1xf32>
    %reduce_max3A_5 = vector.multi_reduction <maximumf>, %reduce_max3A, %reduce_max3A_4 [1, 2] : vector<1x1x512xf32> to vector<1xf32>
    %reduce_max3A_6 = vector.shape_cast %reduce_max3A_5 : vector<1xf32> to vector<1x1x1xf32>
    %reduce_max3A_7 = vector.extract %reduce_max3A_6[0, 0, 0] : f32 from vector<1x1x1xf32>
    %sub3A = vector.broadcast %reduce_max3A_7 : f32 to vector<1x512xf32>
    %sub3A_8 = arith.subf %get3A_3, %sub3A : vector<1x512xf32>
    %exp3A = math.exp %sub3A_8 : vector<1x512xf32>
    %get3A_9 = arith.constant 0 : index
    %get3A_10 = arith.constant 0 : index
    %get3A_11 = vector.load %arg1[%get3A_9, %get3A_10] : memref<104x512xf32, #tpu.memory_space<vmem>>, vector<104x512xf32>
    %mul3A = vector.broadcast %exp3A : vector<1x512xf32> to vector<104x512xf32>
    %mul3A_12 = arith.mulf %get3A_11, %mul3A : vector<104x512xf32>
    %reduce_sum3A = arith.constant dense<0.000000e+00> : vector<104xf32>
    %reduce_sum3A_13 = vector.multi_reduction <add>, %mul3A_12, %reduce_sum3A [1] : vector<104x512xf32> to vector<104xf32>
    %broadcast_in_dim3A = vector.shape_cast %reduce_sum3A_13 : vector<104xf32> to vector<104x1xf32>
    %get3A_14 = arith.constant 0 : index
    %get3A_15 = arith.constant 0 : index
    %get3A_16 = arith.constant 0 : index
    %get3A_17 = vector.load %arg3[%get3A_14, %get3A_15, %get3A_16] : memref<32x512x128xf32, #tpu.memory_space<vmem>>, vector<1x512x128xf32>
    %get3A_18 = vector.shape_cast %get3A_17 : vector<1x512x128xf32> to vector<512x128xf32>
    %dot_general3A = arith.constant dense<0.000000e+00> : vector<104x128xf32>
    %dot_general3A_19 = tpu.matmul %mul3A_12, %get3A_18, %dot_general3A {dimension_numbers = #tpu.dot_dimension_numbers<[1], [0], [0], [1], [0, 0, 1, 1], [], []>, transpose_lhs_hint = false} : vector<104x512xf32>, vector<512x128xf32>, vector<104x128xf32> -> vector<104x128xf32>
    %slice3A = vector.extract_strided_slice %dot_general3A_19 {offsets = [0, 0], sizes = [100, 128], strides = [1, 1]} : vector<104x128xf32> to vector<100x128xf32>
    %slice3A_20 = vector.extract_strided_slice %broadcast_in_dim3A {offsets = [0, 0], sizes = [100, 1], strides = [1, 1]} : vector<104x1xf32> to vector<100x1xf32>
    %div3A = arith.constant 1.000000e+00 : f32
    %div3A_21 = vector.broadcast %div3A : f32 to vector<100x1xf32>
    %div3A_22 = arith.divf %div3A_21, %slice3A_20 : vector<100x1xf32>
    %mul3A_23 = vector.broadcast %div3A_22 : vector<100x1xf32> to vector<100x128xf32>
    %mul3A_24 = arith.mulf %slice3A, %mul3A_23 : vector<100x128xf32>
    %swap3A = arith.constant 0 : index
    %swap3A_25 = arith.constant 0 : index
    %swap3A_26 = arith.constant 0 : index
    %swap3A_27 = vector.load %arg4[%swap3A, %swap3A_25, %swap3A_26] : memref<100x32x128xf32, #tpu.memory_space<vmem>>, vector<100x1x128xf32>
    %swap3A_28 = vector.shape_cast %swap3A_27 : vector<100x1x128xf32> to vector<100x128xf32>
    %swap3A_29 = vector.shape_cast %mul3A_24 : vector<100x128xf32> to vector<100x1x128xf32>
    tpu.vector_store %arg4[%swap3A, %swap3A_25, %swap3A_26], %swap3A_29 {strides = array<i32>} : memref<100x32x128xf32, #tpu.memory_space<vmem>>, vector<100x1x128xf32>,
    %get3A_30 = arith.constant 1 : index
    %get3A_31 = arith.constant 0 : index
    %get3A_32 = arith.constant 0 : index
    %get3A_33 = vector.load %arg2[%get3A_30, %get3A_31, %get3A_32] : memref<32x1x512xf32, #tpu.memory_space<vmem>>, vector<1x1x512xf32>
    %get3A_34 = vector.shape_cast %get3A_33 : vector<1x1x512xf32> to vector<1x512xf32>
    %reduce_max3A_35 = vector.shape_cast %get3A_34 : vector<1x512xf32> to vector<1x1x512xf32>
    %reduce_max3A_36 = arith.constant dense<0xFF800000> : vector<1xf32>
    %reduce_max3A_37 = vector.multi_reduction <maximumf>, %reduce_max3A_35, %reduce_max3A_36 [1, 2] : vector<1x1x512xf32> to vector<1xf32>
    %reduce_max3A_38 = vector.shape_cast %reduce_max3A_37 : vector<1xf32> to vector<1x1x1xf32>
    %reduce_max3A_39 = vector.extract %reduce_max3A_38[0, 0, 0] : f32 from vector<1x1x1xf32>
    %sub3A_40 = vector.broadcast %reduce_max3A_39 : f32 to vector<1x512xf32>
    %sub3A_41 = arith.subf %get3A_34, %sub3A_40 : vector<1x512xf32>
    %exp3A_42 = math.exp %sub3A_41 : vector<1x512xf32>
    %get3A_43 = arith.constant 0 : index
    %get3A_44 = arith.constant 0 : index
    %get3A_45 = vector.load %arg1[%get3A_43, %get3A_44] : memref<104x512xf32, #tpu.memory_space<vmem>>, vector<104x512xf32>
    %mul3A_46 = vector.broadcast %exp3A_42 : vector<1x512xf32> to vector<104x512xf32>
    %mul3A_47 = arith.mulf %get3A_45, %mul3A_46 : vector<104x512xf32>
    %reduce_sum3A_48 = arith.constant dense<0.000000e+00> : vector<104xf32>
    %reduce_sum3A_49 = vector.multi_reduction <add>, %mul3A_47, %reduce_sum3A_48 [1] : vector<104x512xf32> to vector<104xf32>
    %broadcast_in_dim3A_50 = vector.shape_cast %reduce_sum3A_49 : vector<104xf32> to vector<104x1xf32>
    %get3A_51 = arith.constant 1 : index
    %get3A_52 = arith.constant 0 : index
    %get3A_53 = arith.constant 0 : index
    %get3A_54 = vector.load %arg3[%get3A_51, %get3A_52, %get3A_53] : memref<32x512x128xf32, #tpu.memory_space<vmem>>, vector<1x512x128xf32>
    %get3A_55 = vector.shape_cast %get3A_54 : vector<1x512x128xf32> to vector<512x128xf32>
    %dot_general3A_56 = arith.constant dense<0.000000e+00> : vector<104x128xf32>
    %dot_general3A_57 = tpu.matmul %mul3A_47, %get3A_55, %dot_general3A_56 {dimension_numbers = #tpu.dot_dimension_numbers<[1], [0], [0], [1], [0, 0, 1, 1], [], []>, transpose_lhs_hint = false} : vector<104x512xf32>, vector<512x128xf32>, vector<104x128xf32> -> vector<104x128xf32>
    %slice3A_58 = vector.extract_strided_slice %dot_general3A_57 {offsets = [0, 0], sizes = [100, 128], strides = [1, 1]} : vector<104x128xf32> to vector<100x128xf32>
    %slice3A_59 = vector.extract_strided_slice %broadcast_in_dim3A_50 {offsets = [0, 0], sizes = [100, 1], strides = [1, 1]} : vector<104x1xf32> to vector<100x1xf32>
    %div3A_60 = arith.constant 1.000000e+00 : f32
    %div3A_61 = vector.broadcast %div3A_60 : f32 to vector<100x1xf32>
    %div3A_62 = arith.divf %div3A_61, %slice3A_59 : vector<100x1xf32>
    %mul3A_63 = vector.broadcast %div3A_62 : vector<100x1xf32> to vector<100x128xf32>
    %mul3A_64 = arith.mulf %slice3A_58, %mul3A_63 : vector<100x128xf32>
    %swap3A_65 = arith.constant 0 : index
    %swap3A_66 = arith.constant 1 : index
    %swap3A_67 = arith.constant 0 : index
    %swap3A_68 = vector.load %arg4[%swap3A_65, %swap3A_66, %swap3A_67] : memref<100x32x128xf32, #tpu.memory_space<vmem>>, vector<100x1x128xf32>
    %swap3A_69 = vector.shape_cast %swap3A_68 : vector<100x1x128xf32> to vector<100x128xf32>
    %swap3A_70 = vector.shape_cast %mul3A_64 : vector<100x128xf32> to vector<100x1x128xf32>
    tpu.vector_store %arg4[%swap3A_65, %swap3A_66, %swap3A_67], %swap3A_70 {strides = array<i32>} : memref<100x32x128xf32, #tpu.memory_space<vmem>>, vector<100x1x128xf32>,
    %get3A_71 = arith.constant 2 : index
    %get3A_72 = arith.constant 0 : index
    %get3A_73 = arith.constant 0 : index
    %get3A_74 = vector.load %arg2[%get3A_71, %get3A_72, %get3A_73] : memref<32x1x512xf32, #tpu.memory_space<vmem>>, vector<1x1x512xf32>
    %get3A_75 = vector.shape_cast %get3A_74 : vector<1x1x512xf32> to vector<1x512xf32>
    %reduce_max3A_76 = vector.shape_cast %get3A_75 : vector<1x512xf32> to vector<1x1x512xf32>
    %reduce_max3A_77 = arith.constant dense<0xFF800000> : vector<1xf32>
    %reduce_max3A_78 = vector.multi_reduction <maximumf>, %reduce_max3A_76, %reduce_max3A_77 [1, 2] : vector<1x1x512xf32> to vector<1xf32>
    %reduce_max3A_79 = vector.shape_cast %reduce_max3A_78 : vector<1xf32> to vector<1x1x1xf32>
    %reduce_max3A_80 = vector.extract %reduce_max3A_79[0, 0, 0] : f32 from vector<1x1x1xf32>
    %sub3A_81 = vector.broadcast %reduce_max3A_80 : f32 to vector<1x512xf32>
    %sub3A_82 = arith.subf %get3A_75, %sub3A_81 : vector<1x512xf32>
    %exp3A_83 = math.exp %sub3A_82 : vector<1x512xf32>
    %get3A_84 = arith.constant 0 : index
    %get3A_85 = arith.constant 0 : index
    %get3A_86 = vector.load %arg1[%get3A_84, %get3A_85] : memref<104x512xf32, #tpu.memory_space<vmem>>, vector<104x512xf32>
    %mul3A_87 = vector.broadcast %exp3A_83 : vector<1x512xf32> to vector<104x512xf32>
    %mul3A_88 = arith.mulf %get3A_86, %mul3A_87 : vector<104x512xf32>
    %reduce_sum3A_89 = arith.constant dense<0.000000e+00> : vector<104xf32>
    %reduce_sum3A_90 = vector.multi_reduction <add>, %mul3A_88, %reduce_sum3A_89 [1] : vector<104x512xf32> to vector<104xf32>
    %broadcast_in_dim3A_91 = vector.shape_cast %reduce_sum3A_90 : vector<104xf32> to vector<104x1xf32>
    %get3A_92 = arith.constant 2 : index
    %get3A_93 = arith.constant 0 : index
    %get3A_94 = arith.constant 0 : index
    %get3A_95 = vector.load %arg3[%get3A_92, %get3A_93, %get3A_94] : memref<32x512x128xf32, #tpu.memory_space<vmem>>, vector<1x512x128xf32>
    %get3A_96 = vector.shape_cast %get3A_95 : vector<1x512x128xf32> to vector<512x128xf32>
    %dot_general3A_97 = arith.constant dense<0.000000e+00> : vector<104x128xf32>
    %dot_general3A_98 = tpu.matmul %mul3A_88, %get3A_96, %dot_general3A_97 {dimension_numbers = #tpu.dot_dimension_numbers<[1], [0], [0], [1], [0, 0, 1, 1], [], []>, transpose_lhs_hint = false} : vector<104x512xf32>, vector<512x128xf32>, vector<104x128xf32> -> vector<104x128xf32>
    %slice3A_99 = vector.extract_strided_slice %dot_general3A_98 {offsets = [0, 0], sizes = [100, 128], strides = [1, 1]} : vector<104x128xf32> to vector<100x128xf32>
    %slice3A_100 = vector.extract_strided_slice %broadcast_in_dim3A_91 {offsets = [0, 0], sizes = [100, 1], strides = [1, 1]} : vector<104x1xf32> to vector<100x1xf32>
    %div3A_101 = arith.constant 1.000000e+00 : f32
    %div3A_102 = vector.broadcast %div3A_101 : f32 to vector<100x1xf32>
    %div3A_103 = arith.divf %div3A_102, %slice3A_100 : vector<100x1xf32>
    %mul3A_104 = vector.broadcast %div3A_103 : vector<100x1xf32> to vector<100x128xf32>
    %mul3A_105 = arith.mulf %slice3A_99, %mul3A_104 : vector<100x128xf32>
    %swap3A_106 = arith.constant 0 : index
    %swap3A_107 = arith.constant 2 : index
    %swap3A_108 = arith.constant 0 : index
    %swap3A_109 = vector.load %arg4[%swap3A_106, %swap3A_107, %swap3A_108] : memref<100x32x128xf32, #tpu.memory_space<vmem>>, vector<100x1x128xf32>
    %swap3A_110 = vector.shape_cast %swap3A_109 : vector<100x1x128xf32> to vector<100x128xf32>
    %swap3A_111 = vector.shape_cast %mul3A_105 : vector<100x128xf32> to vector<100x1x128xf32>
    tpu.vector_store %arg4[%swap3A_106, %swap3A_107, %swap3A_108], %swap3A_111 {strides = array<i32>} : memref<100x32x128xf32, #tpu.memory_space<vmem>>, vector<100x1x128xf32>,
    %get3A_112 = arith.constant 3 : index
    %get3A_113 = arith.constant 0 : index
    %get3A_114 = arith.constant 0 : index
    %get3A_115 = vector.load %arg2[%get3A_112, %get3A_113, %get3A_114] : memref<32x1x512xf32, #tpu.memory_space<vmem>>, vector<1x1x512xf32>
    %get3A_116 = vector.shape_cast %get3A_115 : vector<1x1x512xf32> to vector<1x512xf32>
    %reduce_max3A_117 = vector.shape_cast %get3A_116 : vector<1x512xf32> to vector<1x1x512xf32>
    %reduce_max3A_118 = arith.constant dense<0xFF800000> : vector<1xf32>
    %reduce_max3A_119 = vector.multi_reduction <maximumf>, %reduce_max3A_117, %reduce_max3A_118 [1, 2] : vector<1x1x512xf32> to vector<1xf32>
    %reduce_max3A_120 = vector.shape_cast %reduce_max3A_119 : vector<1xf32> to vector<1x1x1xf32>
    %reduce_max3A_121 = vector.extract %reduce_max3A_120[0, 0, 0] : f32 from vector<1x1x1xf32>
    %sub3A_122 = vector.broadcast %reduce_max3A_121 : f32 to vector<1x512xf32>
    %sub3A_123 = arith.subf %get3A_116, %sub3A_122 : vector<1x512xf32>
    %exp3A_124 = math.exp %sub3A_123 : vector<1x512xf32>
    %get3A_125 = arith.constant 0 : index
    %get3A_126 = arith.constant 0 : index
    %get3A_127 = vector.load %arg1[%get3A_125, %get3A_126] : memref<104x512xf32, #tpu.memory_space<vmem>>, vector<104x512xf32>
    %mul3A_128 = vector.broadcast %exp3A_124 : vector<1x512xf32> to vector<104x512xf32>
    %mul3A_129 = arith.mulf %get3A_127, %mul3A_128 : vector<104x512xf32>
    %reduce_sum3A_130 = arith.constant dense<0.000000e+00> : vector<104xf32>
    %reduce_sum3A_131 = vector.multi_reduction <add>, %mul3A_129, %reduce_sum3A_130 [1] : vector<104x512xf32> to vector<104xf32>
    %broadcast_in_dim3A_132 = vector.shape_cast %reduce_sum3A_131 : vector<104xf32> to vector<104x1xf32>
    %get3A_133 = arith.constant 3 : index
    %get3A_134 = arith.constant 0 : index
    %get3A_135 = arith.constant 0 : index
    %get3A_136 = vector.load %arg3[%get3A_133, %get3A_134, %get3A_135] : memref<32x512x128xf32, #tpu.memory_space<vmem>>, vector<1x512x128xf32>
    %get3A_137 = vector.shape_cast %get3A_136 : vector<1x512x128xf32> to vector<512x128xf32>
    %dot_general3A_138 = arith.constant dense<0.000000e+00> : vector<104x128xf32>
    %dot_general3A_139 = tpu.matmul %mul3A_129, %get3A_137, %dot_general3A_138 {dimension_numbers = #tpu.dot_dimension_numbers<[1], [0], [0], [1], [0, 0, 1, 1], [], []>, transpose_lhs_hint = false} : vector<104x512xf32>, vector<512x128xf32>, vector<104x128xf32> -> vector<104x128xf32>
    %slice3A_140 = vector.extract_strided_slice %dot_general3A_139 {offsets = [0, 0], sizes = [100, 128], strides = [1, 1]} : vector<104x128xf32> to vector<100x128xf32>
    %slice3A_141 = vector.extract_strided_slice %broadcast_in_dim3A_132 {offsets = [0, 0], sizes = [100, 1], strides = [1, 1]} : vector<104x1xf32> to vector<100x1xf32>
    %div3A_142 = arith.constant 1.000000e+00 : f32
    %div3A_143 = vector.broadcast %div3A_142 : f32 to vector<100x1xf32>
    %div3A_144 = arith.divf %div3A_143, %slice3A_141 : vector<100x1xf32>
    %mul3A_145 = vector.broadcast %div3A_144 : vector<100x1xf32> to vector<100x128xf32>
    %mul3A_146 = arith.mulf %slice3A_140, %mul3A_145 : vector<100x128xf32>
    %swap3A_147 = arith.constant 0 : index
    %swap3A_148 = arith.constant 3 : index
    %swap3A_149 = arith.constant 0 : index
    %swap3A_150 = vector.load %arg4[%swap3A_147, %swap3A_148, %swap3A_149] : memref<100x32x128xf32, #tpu.memory_space<vmem>>, vector<100x1x128xf32>
    %swap3A_151 = vector.shape_cast %swap3A_150 : vector<100x1x128xf32> to vector<100x128xf32>
    %swap3A_152 = vector.shape_cast %mul3A_146 : vector<100x128xf32> to vector<100x1x128xf32>
    tpu.vector_store %arg4[%swap3A_147, %swap3A_148, %swap3A_149], %swap3A_152 {strides = array<i32>} : memref<100x32x128xf32, #tpu.memory_space<vmem>>, vector<100x1x128xf32>,
    %get3A_153 = arith.constant 4 : index
    %get3A_154 = arith.constant 0 : index
    %get3A_155 = arith.constant 0 : index
    %get3A_156 = vector.load %arg2[%get3A_153, %get3A_154, %get3A_155] : memref<32x1x512xf32, #tpu.memory_space<vmem>>, vector<1x1x512xf32>
    %get3A_157 = vector.shape_cast %get3A_156 : vector<1x1x512xf32> to vector<1x512xf32>
    %reduce_max3A_158 = vector.shape_cast %get3A_157 : vector<1x512xf32> to vector<1x1x512xf32>
    %reduce_max3A_159 = arith.constant dense<0xFF800000> : vector<1xf32>
    %reduce_max3A_160 = vector.multi_reduction <maximumf>, %reduce_max3A_158, %reduce_max3A_159 [1, 2] : vector<1x1x512xf32> to vector<1xf32>
    %reduce_max3A_161 = vector.shape_cast %reduce_max3A_160 : vector<1xf32> to vector<1x1x1xf32>
    %reduce_max3A_162 = vector.extract %reduce_max3A_161[0, 0, 0] : f32 from vector<1x1x1xf32>
    %sub3A_163 = vector.broadcast %reduce_max3A_162 : f32 to vector<1x512xf32>
    %sub3A_164 = arith.subf %get3A_157, %sub3A_163 : vector<1x512xf32>
    %exp3A_165 = math.exp %sub3A_164 : vector<1x512xf32>
    %get3A_166 = arith.constant 0 : index
    %get3A_167 = arith.constant 0 : index
    %get3A_168 = vector.load %arg1[%get3A_166, %get3A_167] : memref<104x512xf32, #tpu.memory_space<vmem>>, vector<104x512xf32>
    %mul3A_169 = vector.broadcast %exp3A_165 : vector<1x512xf32> to vector<104x512xf32>
    %mul3A_170 = arith.mulf %get3A_168, %mul3A_169 : vector<104x512xf32>
    %reduce_sum3A_171 = arith.constant dense<0.000000e+00> : vector<104xf32>
    %reduce_sum3A_172 = vector.multi_reduction <add>, %mul3A_170, %reduce_sum3A_171 [1] : vector<104x512xf32> to vector<104xf32>
    %broadcast_in_dim3A_173 = vector.shape_cast %reduce_sum3A_172 : vector<104xf32> to vector<104x1xf32>
    %get3A_174 = arith.constant 4 : index
    %get3A_175 = arith.constant 0 : index
    %get3A_176 = arith.constant 0 : index
    %get3A_177 = vector.load %arg3[%get3A_174, %get3A_175, %get3A_176] : memref<32x512x128xf32, #tpu.memory_space<vmem>>, vector<1x512x128xf32>
    %get3A_178 = vector.shape_cast %get3A_177 : vector<1x512x128xf32> to vector<512x128xf32>
    %dot_general3A_179 = arith.constant dense<0.000000e+00> : vector<104x128xf32>
    %dot_general3A_180 = tpu.matmul %mul3A_170, %get3A_178, %dot_general3A_179 {dimension_numbers = #tpu.dot_dimension_numbers<[1], [0], [0], [1], [0, 0, 1, 1], [], []>, transpose_lhs_hint = false} : vector<104x512xf32>, vector<512x128xf32>, vector<104x128xf32> -> vector<104x128xf32>
    %slice3A_181 = vector.extract_strided_slice %dot_general3A_180 {offsets = [0, 0], sizes = [100, 128], strides = [1, 1]} : vector<104x128xf32> to vector<100x128xf32>
    %slice3A_182 = vector.extract_strided_slice %broadcast_in_dim3A_173 {offsets = [0, 0], sizes = [100, 1], strides = [1, 1]} : vector<104x1xf32> to vector<100x1xf32>
    %div3A_183 = arith.constant 1.000000e+00 : f32
    %div3A_184 = vector.broadcast %div3A_183 : f32 to vector<100x1xf32>
    %div3A_185 = arith.divf %div3A_184, %slice3A_182 : vector<100x1xf32>
    %mul3A_186 = vector.broadcast %div3A_185 : vector<100x1xf32> to vector<100x128xf32>
    %mul3A_187 = arith.mulf %slice3A_181, %mul3A_186 : vector<100x128xf32>
    %swap3A_188 = arith.constant 0 : index
    %swap3A_189 = arith.constant 4 : index
    %swap3A_190 = arith.constant 0 : index
    %swap3A_191 = vector.load %arg4[%swap3A_188, %swap3A_189, %swap3A_190] : memref<100x32x128xf32, #tpu.memory_space<vmem>>, vector<100x1x128xf32>
    %swap3A_192 = vector.shape_cast %swap3A_191 : vector<100x1x128xf32> to vector<100x128xf32>
    %swap3A_193 = vector.shape_cast %mul3A_187 : vector<100x128xf32> to vector<100x1x128xf32>
    tpu.vector_store %arg4[%swap3A_188, %swap3A_189, %swap3A_190], %swap3A_193 {strides = array<i32>} : memref<100x32x128xf32, #tpu.memory_space<vmem>>, vector<100x1x128xf32>,
    %get3A_194 = arith.constant 5 : index
    %get3A_195 = arith.constant 0 : index
    %get3A_196 = arith.constant 0 : index
    %get3A_197 = vector.load %arg2[%get3A_194, %get3A_195, %get3A_196] : memref<32x1x512xf32, #tpu.memory_space<vmem>>, vector<1x1x512xf32>
    %get3A_198 = vector.shape_cast %get3A_197 : vector<1x1x512xf32> to vector<1x512xf32>
    %reduce_max3A_199 = vector.shape_cast %get3A_198 : vector<1x512xf32> to vector<1x1x512xf32>
    %reduce_max3A_200 = arith.constant dense<0xFF800000> : vector<1xf32>
    %reduce_max3A_201 = vector.multi_reduction <maximumf>, %reduce_max3A_199, %reduce_max3A_200 [1, 2] : vector<1x1x512xf32> to vector<1xf32>
    %reduce_max3A_202 = vector.shape_cast %reduce_max3A_201 : vector<1xf32> to vector<1x1x1xf32>
    %reduce_max3A_203 = vector.extract %reduce_max3A_202[0, 0, 0] : f32 from vector<1x1x1xf32>
    %sub3A_204 = vector.broadcast %reduce_max3A_203 : f32 to vector<1x512xf32>
    %sub3A_205 = arith.subf %get3A_198, %sub3A_204 : vector<1x512xf32>
    %exp3A_206 = math.exp %sub3A_205 : vector<1x512xf32>
    %get3A_207 = arith.constant 0 : index
    %get3A_208 = arith.constant 0 : index
    %get3A_209 = vector.load %arg1[%get3A_207, %get3A_208] : memref<104x512xf32, #tpu.memory_space<vmem>>, vector<104x512xf32>
    %mul3A_210 = vector.broadcast %exp3A_206 : vector<1x512xf32> to vector<104x512xf32>
    %mul3A_211 = arith.mulf %get3A_209, %mul3A_210 : vector<104x512xf32>
    %reduce_sum3A_212 = arith.constant dense<0.000000e+00> : vector<104xf32>
    %reduce_sum3A_213 = vector.multi_reduction <add>, %mul3A_211, %reduce_sum3A_212 [1] : vector<104x512xf32> to vector<104xf32>
    %broadcast_in_dim3A_214 = vector.shape_cast %reduce_sum3A_213 : vector<104xf32> to vector<104x1xf32>
    %get3A_215 = arith.constant 5 : index
    %get3A_216 = arith.constant 0 : index
    %get3A_217 = arith.constant 0 : index
    %get3A_218 = vector.load %arg3[%get3A_215, %get3A_216, %get3A_217] : memref<32x512x128xf32, #tpu.memory_space<vmem>>, vector<1x512x128xf32>
    %get3A_219 = vector.shape_cast %get3A_218 : vector<1x512x128xf32> to vector<512x128xf32>
    %dot_general3A_220 = arith.constant dense<0.000000e+00> : vector<104x128xf32>
    %dot_general3A_221 = tpu.matmul %mul3A_211, %get3A_219, %dot_general3A_220 {dimension_numbers = #tpu.dot_dimension_numbers<[1], [0], [0], [1], [0, 0, 1, 1], [], []>, transpose_lhs_hint = false} : vector<104x512xf32>, vector<512x128xf32>, vector<104x128xf32> -> vector<104x128xf32>
    %slice3A_222 = vector.extract_strided_slice %dot_general3A_221 {offsets = [0, 0], sizes = [100, 128], strides = [1, 1]} : vector<104x128xf32> to vector<100x128xf32>
    %slice3A_223 = vector.extract_strided_slice %broadcast_in_dim3A_214 {offsets = [0, 0], sizes = [100, 1], strides = [1, 1]} : vector<104x1xf32> to vector<100x1xf32>
    %div3A_224 = arith.constant 1.000000e+00 : f32
    %div3A_225 = vector.broadcast %div3A_224 : f32 to vector<100x1xf32>
    %div3A_226 = arith.divf %div3A_225, %slice3A_223 : vector<100x1xf32>
    %mul3A_227 = vector.broadcast %div3A_226 : vector<100x1xf32> to vector<100x128xf32>
    %mul3A_228 = arith.mulf %slice3A_222, %mul3A_227 : vector<100x128xf32>
    %swap3A_229 = arith.constant 0 : index
    %swap3A_230 = arith.constant 5 : index
    %swap3A_231 = arith.constant 0 : index
    %swap3A_232 = vector.load %arg4[%swap3A_229, %swap3A_230, %swap3A_231] : memref<100x32x128xf32, #tpu.memory_space<vmem>>, vector<100x1x128xf32>
    %swap3A_233 = vector.shape_cast %swap3A_232 : vector<100x1x128xf32> to vector<100x128xf32>
    %swap3A_234 = vector.shape_cast %mul3A_228 : vector<100x128xf32> to vector<100x1x128xf32>
    tpu.vector_store %arg4[%swap3A_229, %swap3A_230, %swap3A_231], %swap3A_234 {strides = array<i32>} : memref<100x32x128xf32, #tpu.memory_space<vmem>>, vector<100x1x128xf32>,
    %get3A_235 = arith.constant 6 : index
    %get3A_236 = arith.constant 0 : index
    %get3A_237 = arith.constant 0 : index
    %get3A_238 = vector.load %arg2[%get3A_235, %get3A_236, %get3A_237] : memref<32x1x512xf32, #tpu.memory_space<vmem>>, vector<1x1x512xf32>
    %get3A_239 = vector.shape_cast %get3A_238 : vector<1x1x512xf32> to vector<1x512xf32>
    %reduce_max3A_240 = vector.shape_cast %get3A_239 : vector<1x512xf32> to vector<1x1x512xf32>
    %reduce_max3A_241 = arith.constant dense<0xFF800000> : vector<1xf32>
    %reduce_max3A_242 = vector.multi_reduction <maximumf>, %reduce_max3A_240, %reduce_max3A_241 [1, 2] : vector<1x1x512xf32> to vector<1xf32>
    %reduce_max3A_243 = vector.shape_cast %reduce_max3A_242 : vector<1xf32> to vector<1x1x1xf32>
    %reduce_max3A_244 = vector.extract %reduce_max3A_243[0, 0, 0] : f32 from vector<1x1x1xf32>
    %sub3A_245 = vector.broadcast %reduce_max3A_244 : f32 to vector<1x512xf32>
    %sub3A_246 = arith.subf %get3A_239, %sub3A_245 : vector<1x512xf32>
    %exp3A_247 = math.exp %sub3A_246 : vector<1x512xf32>
    %get3A_248 = arith.constant 0 : index
    %get3A_249 = arith.constant 0 : index
    %get3A_250 = vector.load %arg1[%get3A_248, %get3A_249] : memref<104x512xf32, #tpu.memory_space<vmem>>, vector<104x512xf32>
    %mul3A_251 = vector.broadcast %exp3A_247 : vector<1x512xf32> to vector<104x512xf32>
    %mul3A_252 = arith.mulf %get3A_250, %mul3A_251 : vector<104x512xf32>
    %reduce_sum3A_253 = arith.constant dense<0.000000e+00> : vector<104xf32>
    %reduce_sum3A_254 = vector.multi_reduction <add>, %mul3A_252, %reduce_sum3A_253 [1] : vector<104x512xf32> to vector<104xf32>
    %broadcast_in_dim3A_255 = vector.shape_cast %reduce_sum3A_254 : vector<104xf32> to vector<104x1xf32>
    %get3A_256 = arith.constant 6 : index
    %get3A_257 = arith.constant 0 : index
    %get3A_258 = arith.constant 0 : index
    %get3A_259 = vector.load %arg3[%get3A_256, %get3A_257, %get3A_258] : memref<32x512x128xf32, #tpu.memory_space<vmem>>, vector<1x512x128xf32>
    %get3A_260 = vector.shape_cast %get3A_259 : vector<1x512x128xf32> to vector<512x128xf32>
    %dot_general3A_261 = arith.constant dense<0.000000e+00> : vector<104x128xf32>
    %dot_general3A_262 = tpu.matmul %mul3A_252, %get3A_260, %dot_general3A_261 {dimension_numbers = #tpu.dot_dimension_numbers<[1], [0], [0], [1], [0, 0, 1, 1], [], []>, transpose_lhs_hint = false} : vector<104x512xf32>, vector<512x128xf32>, vector<104x128xf32> -> vector<104x128xf32>
    %slice3A_263 = vector.extract_strided_slice %dot_general3A_262 {offsets = [0, 0], sizes = [100, 128], strides = [1, 1]} : vector<104x128xf32> to vector<100x128xf32>
    %slice3A_264 = vector.extract_strided_slice %broadcast_in_dim3A_255 {offsets = [0, 0], sizes = [100, 1], strides = [1, 1]} : vector<104x1xf32> to vector<100x1xf32>
    %div3A_265 = arith.constant 1.000000e+00 : f32
    %div3A_266 = vector.broadcast %div3A_265 : f32 to vector<100x1xf32>
    %div3A_267 = arith.divf %div3A_266, %slice3A_264 : vector<100x1xf32>
    %mul3A_268 = vector.broadcast %div3A_267 : vector<100x1xf32> to vector<100x128xf32>
    %mul3A_269 = arith.mulf %slice3A_263, %mul3A_268 : vector<100x128xf32>
    %swap3A_270 = arith.constant 0 : index
    %swap3A_271 = arith.constant 6 : index
    %swap3A_272 = arith.constant 0 : index
    %swap3A_273 = vector.load %arg4[%swap3A_270, %swap3A_271, %swap3A_272] : memref<100x32x128xf32, #tpu.memory_space<vmem>>, vector<100x1x128xf32>
    %swap3A_274 = vector.shape_cast %swap3A_273 : vector<100x1x128xf32> to vector<100x128xf32>
    %swap3A_275 = vector.shape_cast %mul3A_269 : vector<100x128xf32> to vector<100x1x128xf32>
    tpu.vector_store %arg4[%swap3A_270, %swap3A_271, %swap3A_272], %swap3A_275 {strides = array<i32>} : memref<100x32x128xf32, #tpu.memory_space<vmem>>, vector<100x1x128xf32>,
    %get3A_276 = arith.constant 7 : index
    %get3A_277 = arith.constant 0 : index
    %get3A_278 = arith.constant 0 : index
    %get3A_279 = vector.load %arg2[%get3A_276, %get3A_277, %get3A_278] : memref<32x1x512xf32, #tpu.memory_space<vmem>>, vector<1x1x512xf32>
    %get3A_280 = vector.shape_cast %get3A_279 : vector<1x1x512xf32> to vector<1x512xf32>
    %reduce_max3A_281 = vector.shape_cast %get3A_280 : vector<1x512xf32> to vector<1x1x512xf32>
    %reduce_max3A_282 = arith.constant dense<0xFF800000> : vector<1xf32>
    %reduce_max3A_283 = vector.multi_reduction <maximumf>, %reduce_max3A_281, %reduce_max3A_282 [1, 2] : vector<1x1x512xf32> to vector<1xf32>
    %reduce_max3A_284 = vector.shape_cast %reduce_max3A_283 : vector<1xf32> to vector<1x1x1xf32>
    %reduce_max3A_285 = vector.extract %reduce_max3A_284[0, 0, 0] : f32 from vector<1x1x1xf32>
    %sub3A_286 = vector.broadcast %reduce_max3A_285 : f32 to vector<1x512xf32>
    %sub3A_287 = arith.subf %get3A_280, %sub3A_286 : vector<1x512xf32>
    %exp3A_288 = math.exp %sub3A_287 : vector<1x512xf32>
    %get3A_289 = arith.constant 0 : index
    %get3A_290 = arith.constant 0 : index
    %get3A_291 = vector.load %arg1[%get3A_289, %get3A_290] : memref<104x512xf32, #tpu.memory_space<vmem>>, vector<104x512xf32>
    %mul3A_292 = vector.broadcast %exp3A_288 : vector<1x512xf32> to vector<104x512xf32>
    %mul3A_293 = arith.mulf %get3A_291, %mul3A_292 : vector<104x512xf32>
    %reduce_sum3A_294 = arith.constant dense<0.000000e+00> : vector<104xf32>
    %reduce_sum3A_295 = vector.multi_reduction <add>, %mul3A_293, %reduce_sum3A_294 [1] : vector<104x512xf32> to vector<104xf32>
    %broadcast_in_dim3A_296 = vector.shape_cast %reduce_sum3A_295 : vector<104xf32> to vector<104x1xf32>
    %get3A_297 = arith.constant 7 : index
    %get3A_298 = arith.constant 0 : index
    %get3A_299 = arith.constant 0 : index
    %get3A_300 = vector.load %arg3[%get3A_297, %get3A_298, %get3A_299] : memref<32x512x128xf32, #tpu.memory_space<vmem>>, vector<1x512x128xf32>
    %get3A_301 = vector.shape_cast %get3A_300 : vector<1x512x128xf32> to vector<512x128xf32>
    %dot_general3A_302 = arith.constant dense<0.000000e+00> : vector<104x128xf32>
    %dot_general3A_303 = tpu.matmul %mul3A_293, %get3A_301, %dot_general3A_302 {dimension_numbers = #tpu.dot_dimension_numbers<[1], [0], [0], [1], [0, 0, 1, 1], [], []>, transpose_lhs_hint = false} : vector<104x512xf32>, vector<512x128xf32>, vector<104x128xf32> -> vector<104x128xf32>
    %slice3A_304 = vector.extract_strided_slice %dot_general3A_303 {offsets = [0, 0], sizes = [100, 128], strides = [1, 1]} : vector<104x128xf32> to vector<100x128xf32>
    %slice3A_305 = vector.extract_strided_slice %broadcast_in_dim3A_296 {offsets = [0, 0], sizes = [100, 1], strides = [1, 1]} : vector<104x1xf32> to vector<100x1xf32>
    %div3A_306 = arith.constant 1.000000e+00 : f32
    %div3A_307 = vector.broadcast %div3A_306 : f32 to vector<100x1xf32>
    %div3A_308 = arith.divf %div3A_307, %slice3A_305 : vector<100x1xf32>
    %mul3A_309 = vector.broadcast %div3A_308 : vector<100x1xf32> to vector<100x128xf32>
    %mul3A_310 = arith.mulf %slice3A_304, %mul3A_309 : vector<100x128xf32>
    %swap3A_311 = arith.constant 0 : index
    %swap3A_312 = arith.constant 7 : index
    %swap3A_313 = arith.constant 0 : index
    %swap3A_314 = vector.load %arg4[%swap3A_311, %swap3A_312, %swap3A_313] : memref<100x32x128xf32, #tpu.memory_space<vmem>>, vector<100x1x128xf32>
    %swap3A_315 = vector.shape_cast %swap3A_314 : vector<100x1x128xf32> to vector<100x128xf32>
    %swap3A_316 = vector.shape_cast %mul3A_310 : vector<100x128xf32> to vector<100x1x128xf32>
    tpu.vector_store %arg4[%swap3A_311, %swap3A_312, %swap3A_313], %swap3A_316 {strides = array<i32>} : memref<100x32x128xf32, #tpu.memory_space<vmem>>, vector<100x1x128xf32>,
    %get3A_317 = arith.constant 8 : index
    %get3A_318 = arith.constant 0 : index
    %get3A_319 = arith.constant 0 : index
    %get3A_320 = vector.load %arg2[%get3A_317, %get3A_318, %get3A_319] : memref<32x1x512xf32, #tpu.memory_space<vmem>>, vector<1x1x512xf32>
    %get3A_321 = vector.shape_cast %get3A_320 : vector<1x1x512xf32> to vector<1x512xf32>
    %reduce_max3A_322 = vector.shape_cast %get3A_321 : vector<1x512xf32> to vector<1x1x512xf32>
    %reduce_max3A_323 = arith.constant dense<0xFF800000> : vector<1xf32>
    %reduce_max3A_324 = vector.multi_reduction <maximumf>, %reduce_max3A_322, %reduce_max3A_323 [1, 2] : vector<1x1x512xf32> to vector<1xf32>
    %reduce_max3A_325 = vector.shape_cast %reduce_max3A_324 : vector<1xf32> to vector<1x1x1xf32>
    %reduce_max3A_326 = vector.extract %reduce_max3A_325[0, 0, 0] : f32 from vector<1x1x1xf32>
    %sub3A_327 = vector.broadcast %reduce_max3A_326 : f32 to vector<1x512xf32>
    %sub3A_328 = arith.subf %get3A_321, %sub3A_327 : vector<1x512xf32>
    %exp3A_329 = math.exp %sub3A_328 : vector<1x512xf32>
    %get3A_330 = arith.constant 0 : index
    %get3A_331 = arith.constant 0 : index
    %get3A_332 = vector.load %arg1[%get3A_330, %get3A_331] : memref<104x512xf32, #tpu.memory_space<vmem>>, vector<104x512xf32>
    %mul3A_333 = vector.broadcast %exp3A_329 : vector<1x512xf32> to vector<104x512xf32>
    %mul3A_334 = arith.mulf %get3A_332, %mul3A_333 : vector<104x512xf32>
    %reduce_sum3A_335 = arith.constant dense<0.000000e+00> : vector<104xf32>
    %reduce_sum3A_336 = vector.multi_reduction <add>, %mul3A_334, %reduce_sum3A_335 [1] : vector<104x512xf32> to vector<104xf32>
    %broadcast_in_dim3A_337 = vector.shape_cast %reduce_sum3A_336 : vector<104xf32> to vector<104x1xf32>
    %get3A_338 = arith.constant 8 : index
    %get3A_339 = arith.constant 0 : index
    %get3A_340 = arith.constant 0 : index
    %get3A_341 = vector.load %arg3[%get3A_338, %get3A_339, %get3A_340] : memref<32x512x128xf32, #tpu.memory_space<vmem>>, vector<1x512x128xf32>
    %get3A_342 = vector.shape_cast %get3A_341 : vector<1x512x128xf32> to vector<512x128xf32>
    %dot_general3A_343 = arith.constant dense<0.000000e+00> : vector<104x128xf32>
    %dot_general3A_344 = tpu.matmul %mul3A_334, %get3A_342, %dot_general3A_343 {dimension_numbers = #tpu.dot_dimension_numbers<[1], [0], [0], [1], [0, 0, 1, 1], [], []>, transpose_lhs_hint = false} : vector<104x512xf32>, vector<512x128xf32>, vector<104x128xf32> -> vector<104x128xf32>
    %slice3A_345 = vector.extract_strided_slice %dot_general3A_344 {offsets = [0, 0], sizes = [100, 128], strides = [1, 1]} : vector<104x128xf32> to vector<100x128xf32>
    %slice3A_346 = vector.extract_strided_slice %broadcast_in_dim3A_337 {offsets = [0, 0], sizes = [100, 1], strides = [1, 1]} : vector<104x1xf32> to vector<100x1xf32>
    %div3A_347 = arith.constant 1.000000e+00 : f32
    %div3A_348 = vector.broadcast %div3A_347 : f32 to vector<100x1xf32>
    %div3A_349 = arith.divf %div3A_348, %slice3A_346 : vector<100x1xf32>
    %mul3A_350 = vector.broadcast %div3A_349 : vector<100x1xf32> to vector<100x128xf32>
    %mul3A_351 = arith.mulf %slice3A_345, %mul3A_350 : vector<100x128xf32>
    %swap3A_352 = arith.constant 0 : index
    %swap3A_353 = arith.constant 8 : index
    %swap3A_354 = arith.constant 0 : index
    %swap3A_355 = vector.load %arg4[%swap3A_352, %swap3A_353, %swap3A_354] : memref<100x32x128xf32, #tpu.memory_space<vmem>>, vector<100x1x128xf32>
    %swap3A_356 = vector.shape_cast %swap3A_355 : vector<100x1x128xf32> to vector<100x128xf32>
    %swap3A_357 = vector.shape_cast %mul3A_351 : vector<100x128xf32> to vector<100x1x128xf32>
    tpu.vector_store %arg4[%swap3A_352, %swap3A_353, %swap3A_354], %swap3A_357 {strides = array<i32>} : memref<100x32x128xf32, #tpu.memory_space<vmem>>, vector<100x1x128xf32>,
    %get3A_358 = arith.constant 9 : index
    %get3A_359 = arith.constant 0 : index
    %get3A_360 = arith.constant 0 : index
    %get3A_361 = vector.load %arg2[%get3A_358, %get3A_359, %get3A_360] : memref<32x1x512xf32, #tpu.memory_space<vmem>>, vector<1x1x512xf32>
    %get3A_362 = vector.shape_cast %get3A_361 : vector<1x1x512xf32> to vector<1x512xf32>
    %reduce_max3A_363 = vector.shape_cast %get3A_362 : vector<1x512xf32> to vector<1x1x512xf32>
    %reduce_max3A_364 = arith.constant dense<0xFF800000> : vector<1xf32>
    %reduce_max3A_365 = vector.multi_reduction <maximumf>, %reduce_max3A_363, %reduce_max3A_364 [1, 2] : vector<1x1x512xf32> to vector<1xf32>
    %reduce_max3A_366 = vector.shape_cast %reduce_max3A_365 : vector<1xf32> to vector<1x1x1xf32>
    %reduce_max3A_367 = vector.extract %reduce_max3A_366[0, 0, 0] : f32 from vector<1x1x1xf32>
    %sub3A_368 = vector.broadcast %reduce_max3A_367 : f32 to vector<1x512xf32>
    %sub3A_369 = arith.subf %get3A_362, %sub3A_368 : vector<1x512xf32>
    %exp3A_370 = math.exp %sub3A_369 : vector<1x512xf32>
    %get3A_371 = arith.constant 0 : index
    %get3A_372 = arith.constant 0 : index
    %get3A_373 = vector.load %arg1[%get3A_371, %get3A_372] : memref<104x512xf32, #tpu.memory_space<vmem>>, vector<104x512xf32>
    %mul3A_374 = vector.broadcast %exp3A_370 : vector<1x512xf32> to vector<104x512xf32>
    %mul3A_375 = arith.mulf %get3A_373, %mul3A_374 : vector<104x512xf32>
    %reduce_sum3A_376 = arith.constant dense<0.000000e+00> : vector<104xf32>
    %reduce_sum3A_377 = vector.multi_reduction <add>, %mul3A_375, %reduce_sum3A_376 [1] : vector<104x512xf32> to vector<104xf32>
    %broadcast_in_dim3A_378 = vector.shape_cast %reduce_sum3A_377 : vector<104xf32> to vector<104x1xf32>
    %get3A_379 = arith.constant 9 : index
    %get3A_380 = arith.constant 0 : index
    %get3A_381 = arith.constant 0 : index
    %get3A_382 = vector.load %arg3[%get3A_379, %get3A_380, %get3A_381] : memref<32x512x128xf32, #tpu.memory_space<vmem>>, vector<1x512x128xf32>
    %get3A_383 = vector.shape_cast %get3A_382 : vector<1x512x128xf32> to vector<512x128xf32>
    %dot_general3A_384 = arith.constant dense<0.000000e+00> : vector<104x128xf32>
    %dot_general3A_385 = tpu.matmul %mul3A_375, %get3A_383, %dot_general3A_384 {dimension_numbers = #tpu.dot_dimension_numbers<[1], [0], [0], [1], [0, 0, 1, 1], [], []>, transpose_lhs_hint = false} : vector<104x512xf32>, vector<512x128xf32>, vector<104x128xf32> -> vector<104x128xf32>
    %slice3A_386 = vector.extract_strided_slice %dot_general3A_385 {offsets = [0, 0], sizes = [100, 128], strides = [1, 1]} : vector<104x128xf32> to vector<100x128xf32>
    %slice3A_387 = vector.extract_strided_slice %broadcast_in_dim3A_378 {offsets = [0, 0], sizes = [100, 1], strides = [1, 1]} : vector<104x1xf32> to vector<100x1xf32>
    %div3A_388 = arith.constant 1.000000e+00 : f32
    %div3A_389 = vector.broadcast %div3A_388 : f32 to vector<100x1xf32>
    %div3A_390 = arith.divf %div3A_389, %slice3A_387 : vector<100x1xf32>
    %mul3A_391 = vector.broadcast %div3A_390 : vector<100x1xf32> to vector<100x128xf32>
    %mul3A_392 = arith.mulf %slice3A_386, %mul3A_391 : vector<100x128xf32>
    %swap3A_393 = arith.constant 0 : index
    %swap3A_394 = arith.constant 9 : index
    %swap3A_395 = arith.constant 0 : index
    %swap3A_396 = vector.load %arg4[%swap3A_393, %swap3A_394, %swap3A_395] : memref<100x32x128xf32, #tpu.memory_space<vmem>>, vector<100x1x128xf32>
    %swap3A_397 = vector.shape_cast %swap3A_396 : vector<100x1x128xf32> to vector<100x128xf32>
    %swap3A_398 = vector.shape_cast %mul3A_392 : vector<100x128xf32> to vector<100x1x128xf32>
    tpu.vector_store %arg4[%swap3A_393, %swap3A_394, %swap3A_395], %swap3A_398 {strides = array<i32>} : memref<100x32x128xf32, #tpu.memory_space<vmem>>, vector<100x1x128xf32>,
    %get3A_399 = arith.constant 10 : index
    %get3A_400 = arith.constant 0 : index
    %get3A_401 = arith.constant 0 : index
    %get3A_402 = vector.load %arg2[%get3A_399, %get3A_400, %get3A_401] : memref<32x1x512xf32, #tpu.memory_space<vmem>>, vector<1x1x512xf32>
    %get3A_403 = vector.shape_cast %get3A_402 : vector<1x1x512xf32> to vector<1x512xf32>
    %reduce_max3A_404 = vector.shape_cast %get3A_403 : vector<1x512xf32> to vector<1x1x512xf32>
    %reduce_max3A_405 = arith.constant dense<0xFF800000> : vector<1xf32>
    %reduce_max3A_406 = vector.multi_reduction <maximumf>, %reduce_max3A_404, %reduce_max3A_405 [1, 2] : vector<1x1x512xf32> to vector<1xf32>
    %reduce_max3A_407 = vector.shape_cast %reduce_max3A_406 : vector<1xf32> to vector<1x1x1xf32>
    %reduce_max3A_408 = vector.extract %reduce_max3A_407[0, 0, 0] : f32 from vector<1x1x1xf32>
    %sub3A_409 = vector.broadcast %reduce_max3A_408 : f32 to vector<1x512xf32>
    %sub3A_410 = arith.subf %get3A_403, %sub3A_409 : vector<1x512xf32>
    %exp3A_411 = math.exp %sub3A_410 : vector<1x512xf32>
    %get3A_412 = arith.constant 0 : index
    %get3A_413 = arith.constant 0 : index
    %get3A_414 = vector.load %arg1[%get3A_412, %get3A_413] : memref<104x512xf32, #tpu.memory_space<vmem>>, vector<104x512xf32>
    %mul3A_415 = vector.broadcast %exp3A_411 : vector<1x512xf32> to vector<104x512xf32>
    %mul3A_416 = arith.mulf %get3A_414, %mul3A_415 : vector<104x512xf32>
    %reduce_sum3A_417 = arith.constant dense<0.000000e+00> : vector<104xf32>
    %reduce_sum3A_418 = vector.multi_reduction <add>, %mul3A_416, %reduce_sum3A_417 [1] : vector<104x512xf32> to vector<104xf32>
    %broadcast_in_dim3A_419 = vector.shape_cast %reduce_sum3A_418 : vector<104xf32> to vector<104x1xf32>
    %get3A_420 = arith.constant 10 : index
    %get3A_421 = arith.constant 0 : index
    %get3A_422 = arith.constant 0 : index
    %get3A_423 = vector.load %arg3[%get3A_420, %get3A_421, %get3A_422] : memref<32x512x128xf32, #tpu.memory_space<vmem>>, vector<1x512x128xf32>
    %get3A_424 = vector.shape_cast %get3A_423 : vector<1x512x128xf32> to vector<512x128xf32>
    %dot_general3A_425 = arith.constant dense<0.000000e+00> : vector<104x128xf32>
    %dot_general3A_426 = tpu.matmul %mul3A_416, %get3A_424, %dot_general3A_425 {dimension_numbers = #tpu.dot_dimension_numbers<[1], [0], [0], [1], [0, 0, 1, 1], [], []>, transpose_lhs_hint = false} : vector<104x512xf32>, vector<512x128xf32>, vector<104x128xf32> -> vector<104x128xf32>
    %slice3A_427 = vector.extract_strided_slice %dot_general3A_426 {offsets = [0, 0], sizes = [100, 128], strides = [1, 1]} : vector<104x128xf32> to vector<100x128xf32>
    %slice3A_428 = vector.extract_strided_slice %broadcast_in_dim3A_419 {offsets = [0, 0], sizes = [100, 1], strides = [1, 1]} : vector<104x1xf32> to vector<100x1xf32>
    %div3A_429 = arith.constant 1.000000e+00 : f32
    %div3A_430 = vector.broadcast %div3A_429 : f32 to vector<100x1xf32>
    %div3A_431 = arith.divf %div3A_430, %slice3A_428 : vector<100x1xf32>
    %mul3A_432 = vector.broadcast %div3A_431 : vector<100x1xf32> to vector<100x128xf32>
    %mul3A_433 = arith.mulf %slice3A_427, %mul3A_432 : vector<100x128xf32>
    %swap3A_434 = arith.constant 0 : index
    %swap3A_435 = arith.constant 10 : index
    %swap3A_436 = arith.constant 0 : index
    %swap3A_437 = vector.load %arg4[%swap3A_434, %swap3A_435, %swap3A_436] : memref<100x32x128xf32, #tpu.memory_space<vmem>>, vector<100x1x128xf32>
    %swap3A_438 = vector.shape_cast %swap3A_437 : vector<100x1x128xf32> to vector<100x128xf32>
    %swap3A_439 = vector.shape_cast %mul3A_433 : vector<100x128xf32> to vector<100x1x128xf32>
    tpu.vector_store %arg4[%swap3A_434, %swap3A_435, %swap3A_436], %swap3A_439 {strides = array<i32>} : memref<100x32x128xf32, #tpu.memory_space<vmem>>, vector<100x1x128xf32>,
    %get3A_440 = arith.constant 11 : index
    %get3A_441 = arith.constant 0 : index
    %get3A_442 = arith.constant 0 : index
    %get3A_443 = vector.load %arg2[%get3A_440, %get3A_441, %get3A_442] : memref<32x1x512xf32, #tpu.memory_space<vmem>>, vector<1x1x512xf32>
    %get3A_444 = vector.shape_cast %get3A_443 : vector<1x1x512xf32> to vector<1x512xf32>
    %reduce_max3A_445 = vector.shape_cast %get3A_444 : vector<1x512xf32> to vector<1x1x512xf32>
    %reduce_max3A_446 = arith.constant dense<0xFF800000> : vector<1xf32>
    %reduce_max3A_447 = vector.multi_reduction <maximumf>, %reduce_max3A_445, %reduce_max3A_446 [1, 2] : vector<1x1x512xf32> to vector<1xf32>
    %reduce_max3A_448 = vector.shape_cast %reduce_max3A_447 : vector<1xf32> to vector<1x1x1xf32>
    %reduce_max3A_449 = vector.extract %reduce_max3A_448[0, 0, 0] : f32 from vector<1x1x1xf32>
    %sub3A_450 = vector.broadcast %reduce_max3A_449 : f32 to vector<1x512xf32>
    %sub3A_451 = arith.subf %get3A_444, %sub3A_450 : vector<1x512xf32>
    %exp3A_452 = math.exp %sub3A_451 : vector<1x512xf32>
    %get3A_453 = arith.constant 0 : index
    %get3A_454 = arith.constant 0 : index
    %get3A_455 = vector.load %arg1[%get3A_453, %get3A_454] : memref<104x512xf32, #tpu.memory_space<vmem>>, vector<104x512xf32>
    %mul3A_456 = vector.broadcast %exp3A_452 : vector<1x512xf32> to vector<104x512xf32>
    %mul3A_457 = arith.mulf %get3A_455, %mul3A_456 : vector<104x512xf32>
    %reduce_sum3A_458 = arith.constant dense<0.000000e+00> : vector<104xf32>
    %reduce_sum3A_459 = vector.multi_reduction <add>, %mul3A_457, %reduce_sum3A_458 [1] : vector<104x512xf32> to vector<104xf32>
    %broadcast_in_dim3A_460 = vector.shape_cast %reduce_sum3A_459 : vector<104xf32> to vector<104x1xf32>
    %get3A_461 = arith.constant 11 : index
    %get3A_462 = arith.constant 0 : index
    %get3A_463 = arith.constant 0 : index
    %get3A_464 = vector.load %arg3[%get3A_461, %get3A_462, %get3A_463] : memref<32x512x128xf32, #tpu.memory_space<vmem>>, vector<1x512x128xf32>
    %get3A_465 = vector.shape_cast %get3A_464 : vector<1x512x128xf32> to vector<512x128xf32>
    %dot_general3A_466 = arith.constant dense<0.000000e+00> : vector<104x128xf32>
    %dot_general3A_467 = tpu.matmul %mul3A_457, %get3A_465, %dot_general3A_466 {dimension_numbers = #tpu.dot_dimension_numbers<[1], [0], [0], [1], [0, 0, 1, 1], [], []>, transpose_lhs_hint = false} : vector<104x512xf32>, vector<512x128xf32>, vector<104x128xf32> -> vector<104x128xf32>
    %slice3A_468 = vector.extract_strided_slice %dot_general3A_467 {offsets = [0, 0], sizes = [100, 128], strides = [1, 1]} : vector<104x128xf32> to vector<100x128xf32>
    %slice3A_469 = vector.extract_strided_slice %broadcast_in_dim3A_460 {offsets = [0, 0], sizes = [100, 1], strides = [1, 1]} : vector<104x1xf32> to vector<100x1xf32>
    %div3A_470 = arith.constant 1.000000e+00 : f32
    %div3A_471 = vector.broadcast %div3A_470 : f32 to vector<100x1xf32>
    %div3A_472 = arith.divf %div3A_471, %slice3A_469 : vector<100x1xf32>
    %mul3A_473 = vector.broadcast %div3A_472 : vector<100x1xf32> to vector<100x128xf32>
    %mul3A_474 = arith.mulf %slice3A_468, %mul3A_473 : vector<100x128xf32>
    %swap3A_475 = arith.constant 0 : index
    %swap3A_476 = arith.constant 11 : index
    %swap3A_477 = arith.constant 0 : index
    %swap3A_478 = vector.load %arg4[%swap3A_475, %swap3A_476, %swap3A_477] : memref<100x32x128xf32, #tpu.memory_space<vmem>>, vector<100x1x128xf32>
    %swap3A_479 = vector.shape_cast %swap3A_478 : vector<100x1x128xf32> to vector<100x128xf32>
    %swap3A_480 = vector.shape_cast %mul3A_474 : vector<100x128xf32> to vector<100x1x128xf32>
    tpu.vector_store %arg4[%swap3A_475, %swap3A_476, %swap3A_477], %swap3A_480 {strides = array<i32>} : memref<100x32x128xf32, #tpu.memory_space<vmem>>, vector<100x1x128xf32>,
    %get3A_481 = arith.constant 12 : index
    %get3A_482 = arith.constant 0 : index
    %get3A_483 = arith.constant 0 : index
    %get3A_484 = vector.load %arg2[%get3A_481, %get3A_482, %get3A_483] : memref<32x1x512xf32, #tpu.memory_space<vmem>>, vector<1x1x512xf32>
    %get3A_485 = vector.shape_cast %get3A_484 : vector<1x1x512xf32> to vector<1x512xf32>
    %reduce_max3A_486 = vector.shape_cast %get3A_485 : vector<1x512xf32> to vector<1x1x512xf32>
    %reduce_max3A_487 = arith.constant dense<0xFF800000> : vector<1xf32>
    %reduce_max3A_488 = vector.multi_reduction <maximumf>, %reduce_max3A_486, %reduce_max3A_487 [1, 2] : vector<1x1x512xf32> to vector<1xf32>
    %reduce_max3A_489 = vector.shape_cast %reduce_max3A_488 : vector<1xf32> to vector<1x1x1xf32>
    %reduce_max3A_490 = vector.extract %reduce_max3A_489[0, 0, 0] : f32 from vector<1x1x1xf32>
    %sub3A_491 = vector.broadcast %reduce_max3A_490 : f32 to vector<1x512xf32>
    %sub3A_492 = arith.subf %get3A_485, %sub3A_491 : vector<1x512xf32>
    %exp3A_493 = math.exp %sub3A_492 : vector<1x512xf32>
    %get3A_494 = arith.constant 0 : index
    %get3A_495 = arith.constant 0 : index
    %get3A_496 = vector.load %arg1[%get3A_494, %get3A_495] : memref<104x512xf32, #tpu.memory_space<vmem>>, vector<104x512xf32>
    %mul3A_497 = vector.broadcast %exp3A_493 : vector<1x512xf32> to vector<104x512xf32>
    %mul3A_498 = arith.mulf %get3A_496, %mul3A_497 : vector<104x512xf32>
    %reduce_sum3A_499 = arith.constant dense<0.000000e+00> : vector<104xf32>
    %reduce_sum3A_500 = vector.multi_reduction <add>, %mul3A_498, %reduce_sum3A_499 [1] : vector<104x512xf32> to vector<104xf32>
    %broadcast_in_dim3A_501 = vector.shape_cast %reduce_sum3A_500 : vector<104xf32> to vector<104x1xf32>
    %get3A_502 = arith.constant 12 : index
    %get3A_503 = arith.constant 0 : index
    %get3A_504 = arith.constant 0 : index
    %get3A_505 = vector.load %arg3[%get3A_502, %get3A_503, %get3A_504] : memref<32x512x128xf32, #tpu.memory_space<vmem>>, vector<1x512x128xf32>
    %get3A_506 = vector.shape_cast %get3A_505 : vector<1x512x128xf32> to vector<512x128xf32>
    %dot_general3A_507 = arith.constant dense<0.000000e+00> : vector<104x128xf32>
    %dot_general3A_508 = tpu.matmul %mul3A_498, %get3A_506, %dot_general3A_507 {dimension_numbers = #tpu.dot_dimension_numbers<[1], [0], [0], [1], [0, 0, 1, 1], [], []>, transpose_lhs_hint = false} : vector<104x512xf32>, vector<512x128xf32>, vector<104x128xf32> -> vector<104x128xf32>
    %slice3A_509 = vector.extract_strided_slice %dot_general3A_508 {offsets = [0, 0], sizes = [100, 128], strides = [1, 1]} : vector<104x128xf32> to vector<100x128xf32>
    %slice3A_510 = vector.extract_strided_slice %broadcast_in_dim3A_501 {offsets = [0, 0], sizes = [100, 1], strides = [1, 1]} : vector<104x1xf32> to vector<100x1xf32>
    %div3A_511 = arith.constant 1.000000e+00 : f32
    %div3A_512 = vector.broadcast %div3A_511 : f32 to vector<100x1xf32>
    %div3A_513 = arith.divf %div3A_512, %slice3A_510 : vector<100x1xf32>
    %mul3A_514 = vector.broadcast %div3A_513 : vector<100x1xf32> to vector<100x128xf32>
    %mul3A_515 = arith.mulf %slice3A_509, %mul3A_514 : vector<100x128xf32>
    %swap3A_516 = arith.constant 0 : index
    %swap3A_517 = arith.constant 12 : index
    %swap3A_518 = arith.constant 0 : index
    %swap3A_519 = vector.load %arg4[%swap3A_516, %swap3A_517, %swap3A_518] : memref<100x32x128xf32, #tpu.memory_space<vmem>>, vector<100x1x128xf32>
    %swap3A_520 = vector.shape_cast %swap3A_519 : vector<100x1x128xf32> to vector<100x128xf32>
    %swap3A_521 = vector.shape_cast %mul3A_515 : vector<100x128xf32> to vector<100x1x128xf32>
    tpu.vector_store %arg4[%swap3A_516, %swap3A_517, %swap3A_518], %swap3A_521 {strides = array<i32>} : memref<100x32x128xf32, #tpu.memory_space<vmem>>, vector<100x1x128xf32>,
    %get3A_522 = arith.constant 13 : index
    %get3A_523 = arith.constant 0 : index
    %get3A_524 = arith.constant 0 : index
    %get3A_525 = vector.load %arg2[%get3A_522, %get3A_523, %get3A_524] : memref<32x1x512xf32, #tpu.memory_space<vmem>>, vector<1x1x512xf32>
    %get3A_526 = vector.shape_cast %get3A_525 : vector<1x1x512xf32> to vector<1x512xf32>
    %reduce_max3A_527 = vector.shape_cast %get3A_526 : vector<1x512xf32> to vector<1x1x512xf32>
    %reduce_max3A_528 = arith.constant dense<0xFF800000> : vector<1xf32>
    %reduce_max3A_529 = vector.multi_reduction <maximumf>, %reduce_max3A_527, %reduce_max3A_528 [1, 2] : vector<1x1x512xf32> to vector<1xf32>
    %reduce_max3A_530 = vector.shape_cast %reduce_max3A_529 : vector<1xf32> to vector<1x1x1xf32>
    %reduce_max3A_531 = vector.extract %reduce_max3A_530[0, 0, 0] : f32 from vector<1x1x1xf32>
    %sub3A_532 = vector.broadcast %reduce_max3A_531 : f32 to vector<1x512xf32>
    %sub3A_533 = arith.subf %get3A_526, %sub3A_532 : vector<1x512xf32>
    %exp3A_534 = math.exp %sub3A_533 : vector<1x512xf32>
    %get3A_535 = arith.constant 0 : index
    %get3A_536 = arith.constant 0 : index
    %get3A_537 = vector.load %arg1[%get3A_535, %get3A_536] : memref<104x512xf32, #tpu.memory_space<vmem>>, vector<104x512xf32>
    %mul3A_538 = vector.broadcast %exp3A_534 : vector<1x512xf32> to vector<104x512xf32>
    %mul3A_539 = arith.mulf %get3A_537, %mul3A_538 : vector<104x512xf32>
    %reduce_sum3A_540 = arith.constant dense<0.000000e+00> : vector<104xf32>
    %reduce_sum3A_541 = vector.multi_reduction <add>, %mul3A_539, %reduce_sum3A_540 [1] : vector<104x512xf32> to vector<104xf32>
    %broadcast_in_dim3A_542 = vector.shape_cast %reduce_sum3A_541 : vector<104xf32> to vector<104x1xf32>
    %get3A_543 = arith.constant 13 : index
    %get3A_544 = arith.constant 0 : index
    %get3A_545 = arith.constant 0 : index
    %get3A_546 = vector.load %arg3[%get3A_543, %get3A_544, %get3A_545] : memref<32x512x128xf32, #tpu.memory_space<vmem>>, vector<1x512x128xf32>
    %get3A_547 = vector.shape_cast %get3A_546 : vector<1x512x128xf32> to vector<512x128xf32>
    %dot_general3A_548 = arith.constant dense<0.000000e+00> : vector<104x128xf32>
    %dot_general3A_549 = tpu.matmul %mul3A_539, %get3A_547, %dot_general3A_548 {dimension_numbers = #tpu.dot_dimension_numbers<[1], [0], [0], [1], [0, 0, 1, 1], [], []>, transpose_lhs_hint = false} : vector<104x512xf32>, vector<512x128xf32>, vector<104x128xf32> -> vector<104x128xf32>
    %slice3A_550 = vector.extract_strided_slice %dot_general3A_549 {offsets = [0, 0], sizes = [100, 128], strides = [1, 1]} : vector<104x128xf32> to vector<100x128xf32>
    %slice3A_551 = vector.extract_strided_slice %broadcast_in_dim3A_542 {offsets = [0, 0], sizes = [100, 1], strides = [1, 1]} : vector<104x1xf32> to vector<100x1xf32>
    %div3A_552 = arith.constant 1.000000e+00 : f32
    %div3A_553 = vector.broadcast %div3A_552 : f32 to vector<100x1xf32>
    %div3A_554 = arith.divf %div3A_553, %slice3A_551 : vector<100x1xf32>
    %mul3A_555 = vector.broadcast %div3A_554 : vector<100x1xf32> to vector<100x128xf32>
    %mul3A_556 = arith.mulf %slice3A_550, %mul3A_555 : vector<100x128xf32>
    %swap3A_557 = arith.constant 0 : index
    %swap3A_558 = arith.constant 13 : index
    %swap3A_559 = arith.constant 0 : index
    %swap3A_560 = vector.load %arg4[%swap3A_557, %swap3A_558, %swap3A_559] : memref<100x32x128xf32, #tpu.memory_space<vmem>>, vector<100x1x128xf32>
    %swap3A_561 = vector.shape_cast %swap3A_560 : vector<100x1x128xf32> to vector<100x128xf32>
    %swap3A_562 = vector.shape_cast %mul3A_556 : vector<100x128xf32> to vector<100x1x128xf32>
    tpu.vector_store %arg4[%swap3A_557, %swap3A_558, %swap3A_559], %swap3A_562 {strides = array<i32>} : memref<100x32x128xf32, #tpu.memory_space<vmem>>, vector<100x1x128xf32>,
    %get3A_563 = arith.constant 14 : index
    %get3A_564 = arith.constant 0 : index
    %get3A_565 = arith.constant 0 : index
    %get3A_566 = vector.load %arg2[%get3A_563, %get3A_564, %get3A_565] : memref<32x1x512xf32, #tpu.memory_space<vmem>>, vector<1x1x512xf32>
    %get3A_567 = vector.shape_cast %get3A_566 : vector<1x1x512xf32> to vector<1x512xf32>
    %reduce_max3A_568 = vector.shape_cast %get3A_567 : vector<1x512xf32> to vector<1x1x512xf32>
    %reduce_max3A_569 = arith.constant dense<0xFF800000> : vector<1xf32>
    %reduce_max3A_570 = vector.multi_reduction <maximumf>, %reduce_max3A_568, %reduce_max3A_569 [1, 2] : vector<1x1x512xf32> to vector<1xf32>
    %reduce_max3A_571 = vector.shape_cast %reduce_max3A_570 : vector<1xf32> to vector<1x1x1xf32>
    %reduce_max3A_572 = vector.extract %reduce_max3A_571[0, 0, 0] : f32 from vector<1x1x1xf32>
    %sub3A_573 = vector.broadcast %reduce_max3A_572 : f32 to vector<1x512xf32>
    %sub3A_574 = arith.subf %get3A_567, %sub3A_573 : vector<1x512xf32>
    %exp3A_575 = math.exp %sub3A_574 : vector<1x512xf32>
    %get3A_576 = arith.constant 0 : index
    %get3A_577 = arith.constant 0 : index
    %get3A_578 = vector.load %arg1[%get3A_576, %get3A_577] : memref<104x512xf32, #tpu.memory_space<vmem>>, vector<104x512xf32>
    %mul3A_579 = vector.broadcast %exp3A_575 : vector<1x512xf32> to vector<104x512xf32>
    %mul3A_580 = arith.mulf %get3A_578, %mul3A_579 : vector<104x512xf32>
    %reduce_sum3A_581 = arith.constant dense<0.000000e+00> : vector<104xf32>
    %reduce_sum3A_582 = vector.multi_reduction <add>, %mul3A_580, %reduce_sum3A_581 [1] : vector<104x512xf32> to vector<104xf32>
    %broadcast_in_dim3A_583 = vector.shape_cast %reduce_sum3A_582 : vector<104xf32> to vector<104x1xf32>
    %get3A_584 = arith.constant 14 : index
    %get3A_585 = arith.constant 0 : index
    %get3A_586 = arith.constant 0 : index
    %get3A_587 = vector.load %arg3[%get3A_584, %get3A_585, %get3A_586] : memref<32x512x128xf32, #tpu.memory_space<vmem>>, vector<1x512x128xf32>
    %get3A_588 = vector.shape_cast %get3A_587 : vector<1x512x128xf32> to vector<512x128xf32>
    %dot_general3A_589 = arith.constant dense<0.000000e+00> : vector<104x128xf32>
    %dot_general3A_590 = tpu.matmul %mul3A_580, %get3A_588, %dot_general3A_589 {dimension_numbers = #tpu.dot_dimension_numbers<[1], [0], [0], [1], [0, 0, 1, 1], [], []>, transpose_lhs_hint = false} : vector<104x512xf32>, vector<512x128xf32>, vector<104x128xf32> -> vector<104x128xf32>
    %slice3A_591 = vector.extract_strided_slice %dot_general3A_590 {offsets = [0, 0], sizes = [100, 128], strides = [1, 1]} : vector<104x128xf32> to vector<100x128xf32>
    %slice3A_592 = vector.extract_strided_slice %broadcast_in_dim3A_583 {offsets = [0, 0], sizes = [100, 1], strides = [1, 1]} : vector<104x1xf32> to vector<100x1xf32>
    %div3A_593 = arith.constant 1.000000e+00 : f32
    %div3A_594 = vector.broadcast %div3A_593 : f32 to vector<100x1xf32>
    %div3A_595 = arith.divf %div3A_594, %slice3A_592 : vector<100x1xf32>
    %mul3A_596 = vector.broadcast %div3A_595 : vector<100x1xf32> to vector<100x128xf32>
    %mul3A_597 = arith.mulf %slice3A_591, %mul3A_596 : vector<100x128xf32>
    %swap3A_598 = arith.constant 0 : index
    %swap3A_599 = arith.constant 14 : index
    %swap3A_600 = arith.constant 0 : index
    %swap3A_601 = vector.load %arg4[%swap3A_598, %swap3A_599, %swap3A_600] : memref<100x32x128xf32, #tpu.memory_space<vmem>>, vector<100x1x128xf32>
    %swap3A_602 = vector.shape_cast %swap3A_601 : vector<100x1x128xf32> to vector<100x128xf32>
    %swap3A_603 = vector.shape_cast %mul3A_597 : vector<100x128xf32> to vector<100x1x128xf32>
    tpu.vector_store %arg4[%swap3A_598, %swap3A_599, %swap3A_600], %swap3A_603 {strides = array<i32>} : memref<100x32x128xf32, #tpu.memory_space<vmem>>, vector<100x1x128xf32>,
    %get3A_604 = arith.constant 15 : index
    %get3A_605 = arith.constant 0 : index
    %get3A_606 = arith.constant 0 : index
    %get3A_607 = vector.load %arg2[%get3A_604, %get3A_605, %get3A_606] : memref<32x1x512xf32, #tpu.memory_space<vmem>>, vector<1x1x512xf32>
    %get3A_608 = vector.shape_cast %get3A_607 : vector<1x1x512xf32> to vector<1x512xf32>
    %reduce_max3A_609 = vector.shape_cast %get3A_608 : vector<1x512xf32> to vector<1x1x512xf32>
    %reduce_max3A_610 = arith.constant dense<0xFF800000> : vector<1xf32>
    %reduce_max3A_611 = vector.multi_reduction <maximumf>, %reduce_max3A_609, %reduce_max3A_610 [1, 2] : vector<1x1x512xf32> to vector<1xf32>
    %reduce_max3A_612 = vector.shape_cast %reduce_max3A_611 : vector<1xf32> to vector<1x1x1xf32>
    %reduce_max3A_613 = vector.extract %reduce_max3A_612[0, 0, 0] : f32 from vector<1x1x1xf32>
    %sub3A_614 = vector.broadcast %reduce_max3A_613 : f32 to vector<1x512xf32>
    %sub3A_615 = arith.subf %get3A_608, %sub3A_614 : vector<1x512xf32>
    %exp3A_616 = math.exp %sub3A_615 : vector<1x512xf32>
    %get3A_617 = arith.constant 0 : index
    %get3A_618 = arith.constant 0 : index
    %get3A_619 = vector.load %arg1[%get3A_617, %get3A_618] : memref<104x512xf32, #tpu.memory_space<vmem>>, vector<104x512xf32>
    %mul3A_620 = vector.broadcast %exp3A_616 : vector<1x512xf32> to vector<104x512xf32>
    %mul3A_621 = arith.mulf %get3A_619, %mul3A_620 : vector<104x512xf32>
    %reduce_sum3A_622 = arith.constant dense<0.000000e+00> : vector<104xf32>
    %reduce_sum3A_623 = vector.multi_reduction <add>, %mul3A_621, %reduce_sum3A_622 [1] : vector<104x512xf32> to vector<104xf32>
    %broadcast_in_dim3A_624 = vector.shape_cast %reduce_sum3A_623 : vector<104xf32> to vector<104x1xf32>
    %get3A_625 = arith.constant 15 : index
    %get3A_626 = arith.constant 0 : index
    %get3A_627 = arith.constant 0 : index
    %get3A_628 = vector.load %arg3[%get3A_625, %get3A_626, %get3A_627] : memref<32x512x128xf32, #tpu.memory_space<vmem>>, vector<1x512x128xf32>
    %get3A_629 = vector.shape_cast %get3A_628 : vector<1x512x128xf32> to vector<512x128xf32>
    %dot_general3A_630 = arith.constant dense<0.000000e+00> : vector<104x128xf32>
    %dot_general3A_631 = tpu.matmul %mul3A_621, %get3A_629, %dot_general3A_630 {dimension_numbers = #tpu.dot_dimension_numbers<[1], [0], [0], [1], [0, 0, 1, 1], [], []>, transpose_lhs_hint = false} : vector<104x512xf32>, vector<512x128xf32>, vector<104x128xf32> -> vector<104x128xf32>
    %slice3A_632 = vector.extract_strided_slice %dot_general3A_631 {offsets = [0, 0], sizes = [100, 128], strides = [1, 1]} : vector<104x128xf32> to vector<100x128xf32>
    %slice3A_633 = vector.extract_strided_slice %broadcast_in_dim3A_624 {offsets = [0, 0], sizes = [100, 1], strides = [1, 1]} : vector<104x1xf32> to vector<100x1xf32>
    %div3A_634 = arith.constant 1.000000e+00 : f32
    %div3A_635 = vector.broadcast %div3A_634 : f32 to vector<100x1xf32>
    %div3A_636 = arith.divf %div3A_635, %slice3A_633 : vector<100x1xf32>
    %mul3A_637 = vector.broadcast %div3A_636 : vector<100x1xf32> to vector<100x128xf32>
    %mul3A_638 = arith.mulf %slice3A_632, %mul3A_637 : vector<100x128xf32>
    %swap3A_639 = arith.constant 0 : index
    %swap3A_640 = arith.constant 15 : index
    %swap3A_641 = arith.constant 0 : index
    %swap3A_642 = vector.load %arg4[%swap3A_639, %swap3A_640, %swap3A_641] : memref<100x32x128xf32, #tpu.memory_space<vmem>>, vector<100x1x128xf32>
    %swap3A_643 = vector.shape_cast %swap3A_642 : vector<100x1x128xf32> to vector<100x128xf32>
    %swap3A_644 = vector.shape_cast %mul3A_638 : vector<100x128xf32> to vector<100x1x128xf32>
    tpu.vector_store %arg4[%swap3A_639, %swap3A_640, %swap3A_641], %swap3A_644 {strides = array<i32>} : memref<100x32x128xf32, #tpu.memory_space<vmem>>, vector<100x1x128xf32>,
    %get3A_645 = arith.constant 16 : index
    %get3A_646 = arith.constant 0 : index
    %get3A_647 = arith.constant 0 : index
    %get3A_648 = vector.load %arg2[%get3A_645, %get3A_646, %get3A_647] : memref<32x1x512xf32, #tpu.memory_space<vmem>>, vector<1x1x512xf32>
    %get3A_649 = vector.shape_cast %get3A_648 : vector<1x1x512xf32> to vector<1x512xf32>
    %reduce_max3A_650 = vector.shape_cast %get3A_649 : vector<1x512xf32> to vector<1x1x512xf32>
    %reduce_max3A_651 = arith.constant dense<0xFF800000> : vector<1xf32>
    %reduce_max3A_652 = vector.multi_reduction <maximumf>, %reduce_max3A_650, %reduce_max3A_651 [1, 2] : vector<1x1x512xf32> to vector<1xf32>
    %reduce_max3A_653 = vector.shape_cast %reduce_max3A_652 : vector<1xf32> to vector<1x1x1xf32>
    %reduce_max3A_654 = vector.extract %reduce_max3A_653[0, 0, 0] : f32 from vector<1x1x1xf32>
    %sub3A_655 = vector.broadcast %reduce_max3A_654 : f32 to vector<1x512xf32>
    %sub3A_656 = arith.subf %get3A_649, %sub3A_655 : vector<1x512xf32>
    %exp3A_657 = math.exp %sub3A_656 : vector<1x512xf32>
    %get3A_658 = arith.constant 0 : index
    %get3A_659 = arith.constant 0 : index
    %get3A_660 = vector.load %arg1[%get3A_658, %get3A_659] : memref<104x512xf32, #tpu.memory_space<vmem>>, vector<104x512xf32>
    %mul3A_661 = vector.broadcast %exp3A_657 : vector<1x512xf32> to vector<104x512xf32>
    %mul3A_662 = arith.mulf %get3A_660, %mul3A_661 : vector<104x512xf32>
    %reduce_sum3A_663 = arith.constant dense<0.000000e+00> : vector<104xf32>
    %reduce_sum3A_664 = vector.multi_reduction <add>, %mul3A_662, %reduce_sum3A_663 [1] : vector<104x512xf32> to vector<104xf32>
    %broadcast_in_dim3A_665 = vector.shape_cast %reduce_sum3A_664 : vector<104xf32> to vector<104x1xf32>
    %get3A_666 = arith.constant 16 : index
    %get3A_667 = arith.constant 0 : index
    %get3A_668 = arith.constant 0 : index
    %get3A_669 = vector.load %arg3[%get3A_666, %get3A_667, %get3A_668] : memref<32x512x128xf32, #tpu.memory_space<vmem>>, vector<1x512x128xf32>
    %get3A_670 = vector.shape_cast %get3A_669 : vector<1x512x128xf32> to vector<512x128xf32>
    %dot_general3A_671 = arith.constant dense<0.000000e+00> : vector<104x128xf32>
    %dot_general3A_672 = tpu.matmul %mul3A_662, %get3A_670, %dot_general3A_671 {dimension_numbers = #tpu.dot_dimension_numbers<[1], [0], [0], [1], [0, 0, 1, 1], [], []>, transpose_lhs_hint = false} : vector<104x512xf32>, vector<512x128xf32>, vector<104x128xf32> -> vector<104x128xf32>
    %slice3A_673 = vector.extract_strided_slice %dot_general3A_672 {offsets = [0, 0], sizes = [100, 128], strides = [1, 1]} : vector<104x128xf32> to vector<100x128xf32>
    %slice3A_674 = vector.extract_strided_slice %broadcast_in_dim3A_665 {offsets = [0, 0], sizes = [100, 1], strides = [1, 1]} : vector<104x1xf32> to vector<100x1xf32>
    %div3A_675 = arith.constant 1.000000e+00 : f32
    %div3A_676 = vector.broadcast %div3A_675 : f32 to vector<100x1xf32>
    %div3A_677 = arith.divf %div3A_676, %slice3A_674 : vector<100x1xf32>
    %mul3A_678 = vector.broadcast %div3A_677 : vector<100x1xf32> to vector<100x128xf32>
    %mul3A_679 = arith.mulf %slice3A_673, %mul3A_678 : vector<100x128xf32>
    %swap3A_680 = arith.constant 0 : index
    %swap3A_681 = arith.constant 16 : index
    %swap3A_682 = arith.constant 0 : index
    %swap3A_683 = vector.load %arg4[%swap3A_680, %swap3A_681, %swap3A_682] : memref<100x32x128xf32, #tpu.memory_space<vmem>>, vector<100x1x128xf32>
    %swap3A_684 = vector.shape_cast %swap3A_683 : vector<100x1x128xf32> to vector<100x128xf32>
    %swap3A_685 = vector.shape_cast %mul3A_679 : vector<100x128xf32> to vector<100x1x128xf32>
    tpu.vector_store %arg4[%swap3A_680, %swap3A_681, %swap3A_682], %swap3A_685 {strides = array<i32>} : memref<100x32x128xf32, #tpu.memory_space<vmem>>, vector<100x1x128xf32>,
    %get3A_686 = arith.constant 17 : index
    %get3A_687 = arith.constant 0 : index
    %get3A_688 = arith.constant 0 : index
    %get3A_689 = vector.load %arg2[%get3A_686, %get3A_687, %get3A_688] : memref<32x1x512xf32, #tpu.memory_space<vmem>>, vector<1x1x512xf32>
    %get3A_690 = vector.shape_cast %get3A_689 : vector<1x1x512xf32> to vector<1x512xf32>
    %reduce_max3A_691 = vector.shape_cast %get3A_690 : vector<1x512xf32> to vector<1x1x512xf32>
    %reduce_max3A_692 = arith.constant dense<0xFF800000> : vector<1xf32>
    %reduce_max3A_693 = vector.multi_reduction <maximumf>, %reduce_max3A_691, %reduce_max3A_692 [1, 2] : vector<1x1x512xf32> to vector<1xf32>
    %reduce_max3A_694 = vector.shape_cast %reduce_max3A_693 : vector<1xf32> to vector<1x1x1xf32>
    %reduce_max3A_695 = vector.extract %reduce_max3A_694[0, 0, 0] : f32 from vector<1x1x1xf32>
    %sub3A_696 = vector.broadcast %reduce_max3A_695 : f32 to vector<1x512xf32>
    %sub3A_697 = arith.subf %get3A_690, %sub3A_696 : vector<1x512xf32>
    %exp3A_698 = math.exp %sub3A_697 : vector<1x512xf32>
    %get3A_699 = arith.constant 0 : index
    %get3A_700 = arith.constant 0 : index
    %get3A_701 = vector.load %arg1[%get3A_699, %get3A_700] : memref<104x512xf32, #tpu.memory_space<vmem>>, vector<104x512xf32>
    %mul3A_702 = vector.broadcast %exp3A_698 : vector<1x512xf32> to vector<104x512xf32>
    %mul3A_703 = arith.mulf %get3A_701, %mul3A_702 : vector<104x512xf32>
    %reduce_sum3A_704 = arith.constant dense<0.000000e+00> : vector<104xf32>
    %reduce_sum3A_705 = vector.multi_reduction <add>, %mul3A_703, %reduce_sum3A_704 [1] : vector<104x512xf32> to vector<104xf32>
    %broadcast_in_dim3A_706 = vector.shape_cast %reduce_sum3A_705 : vector<104xf32> to vector<104x1xf32>
    %get3A_707 = arith.constant 17 : index
    %get3A_708 = arith.constant 0 : index
    %get3A_709 = arith.constant 0 : index
    %get3A_710 = vector.load %arg3[%get3A_707, %get3A_708, %get3A_709] : memref<32x512x128xf32, #tpu.memory_space<vmem>>, vector<1x512x128xf32>
    %get3A_711 = vector.shape_cast %get3A_710 : vector<1x512x128xf32> to vector<512x128xf32>
    %dot_general3A_712 = arith.constant dense<0.000000e+00> : vector<104x128xf32>
    %dot_general3A_713 = tpu.matmul %mul3A_703, %get3A_711, %dot_general3A_712 {dimension_numbers = #tpu.dot_dimension_numbers<[1], [0], [0], [1], [0, 0, 1, 1], [], []>, transpose_lhs_hint = false} : vector<104x512xf32>, vector<512x128xf32>, vector<104x128xf32> -> vector<104x128xf32>
    %slice3A_714 = vector.extract_strided_slice %dot_general3A_713 {offsets = [0, 0], sizes = [100, 128], strides = [1, 1]} : vector<104x128xf32> to vector<100x128xf32>
    %slice3A_715 = vector.extract_strided_slice %broadcast_in_dim3A_706 {offsets = [0, 0], sizes = [100, 1], strides = [1, 1]} : vector<104x1xf32> to vector<100x1xf32>
    %div3A_716 = arith.constant 1.000000e+00 : f32
    %div3A_717 = vector.broadcast %div3A_716 : f32 to vector<100x1xf32>
    %div3A_718 = arith.divf %div3A_717, %slice3A_715 : vector<100x1xf32>
    %mul3A_719 = vector.broadcast %div3A_718 : vector<100x1xf32> to vector<100x128xf32>
    %mul3A_720 = arith.mulf %slice3A_714, %mul3A_719 : vector<100x128xf32>
    %swap3A_721 = arith.constant 0 : index
    %swap3A_722 = arith.constant 17 : index
    %swap3A_723 = arith.constant 0 : index
    %swap3A_724 = vector.load %arg4[%swap3A_721, %swap3A_722, %swap3A_723] : memref<100x32x128xf32, #tpu.memory_space<vmem>>, vector<100x1x128xf32>
    %swap3A_725 = vector.shape_cast %swap3A_724 : vector<100x1x128xf32> to vector<100x128xf32>
    %swap3A_726 = vector.shape_cast %mul3A_720 : vector<100x128xf32> to vector<100x1x128xf32>
    tpu.vector_store %arg4[%swap3A_721, %swap3A_722, %swap3A_723], %swap3A_726 {strides = array<i32>} : memref<100x32x128xf32, #tpu.memory_space<vmem>>, vector<100x1x128xf32>,
    %get3A_727 = arith.constant 18 : index
    %get3A_728 = arith.constant 0 : index
    %get3A_729 = arith.constant 0 : index
    %get3A_730 = vector.load %arg2[%get3A_727, %get3A_728, %get3A_729] : memref<32x1x512xf32, #tpu.memory_space<vmem>>, vector<1x1x512xf32>
    %get3A_731 = vector.shape_cast %get3A_730 : vector<1x1x512xf32> to vector<1x512xf32>
    %reduce_max3A_732 = vector.shape_cast %get3A_731 : vector<1x512xf32> to vector<1x1x512xf32>
    %reduce_max3A_733 = arith.constant dense<0xFF800000> : vector<1xf32>
    %reduce_max3A_734 = vector.multi_reduction <maximumf>, %reduce_max3A_732, %reduce_max3A_733 [1, 2] : vector<1x1x512xf32> to vector<1xf32>
    %reduce_max3A_735 = vector.shape_cast %reduce_max3A_734 : vector<1xf32> to vector<1x1x1xf32>
    %reduce_max3A_736 = vector.extract %reduce_max3A_735[0, 0, 0] : f32 from vector<1x1x1xf32>
    %sub3A_737 = vector.broadcast %reduce_max3A_736 : f32 to vector<1x512xf32>
    %sub3A_738 = arith.subf %get3A_731, %sub3A_737 : vector<1x512xf32>
    %exp3A_739 = math.exp %sub3A_738 : vector<1x512xf32>
    %get3A_740 = arith.constant 0 : index
    %get3A_741 = arith.constant 0 : index
    %get3A_742 = vector.load %arg1[%get3A_740, %get3A_741] : memref<104x512xf32, #tpu.memory_space<vmem>>, vector<104x512xf32>
    %mul3A_743 = vector.broadcast %exp3A_739 : vector<1x512xf32> to vector<104x512xf32>
    %mul3A_744 = arith.mulf %get3A_742, %mul3A_743 : vector<104x512xf32>
    %reduce_sum3A_745 = arith.constant dense<0.000000e+00> : vector<104xf32>
    %reduce_sum3A_746 = vector.multi_reduction <add>, %mul3A_744, %reduce_sum3A_745 [1] : vector<104x512xf32> to vector<104xf32>
    %broadcast_in_dim3A_747 = vector.shape_cast %reduce_sum3A_746 : vector<104xf32> to vector<104x1xf32>
    %get3A_748 = arith.constant 18 : index
    %get3A_749 = arith.constant 0 : index
    %get3A_750 = arith.constant 0 : index
    %get3A_751 = vector.load %arg3[%get3A_748, %get3A_749, %get3A_750] : memref<32x512x128xf32, #tpu.memory_space<vmem>>, vector<1x512x128xf32>
    %get3A_752 = vector.shape_cast %get3A_751 : vector<1x512x128xf32> to vector<512x128xf32>
    %dot_general3A_753 = arith.constant dense<0.000000e+00> : vector<104x128xf32>
    %dot_general3A_754 = tpu.matmul %mul3A_744, %get3A_752, %dot_general3A_753 {dimension_numbers = #tpu.dot_dimension_numbers<[1], [0], [0], [1], [0, 0, 1, 1], [], []>, transpose_lhs_hint = false} : vector<104x512xf32>, vector<512x128xf32>, vector<104x128xf32> -> vector<104x128xf32>
    %slice3A_755 = vector.extract_strided_slice %dot_general3A_754 {offsets = [0, 0], sizes = [100, 128], strides = [1, 1]} : vector<104x128xf32> to vector<100x128xf32>
    %slice3A_756 = vector.extract_strided_slice %broadcast_in_dim3A_747 {offsets = [0, 0], sizes = [100, 1], strides = [1, 1]} : vector<104x1xf32> to vector<100x1xf32>
    %div3A_757 = arith.constant 1.000000e+00 : f32
    %div3A_758 = vector.broadcast %div3A_757 : f32 to vector<100x1xf32>
    %div3A_759 = arith.divf %div3A_758, %slice3A_756 : vector<100x1xf32>
    %mul3A_760 = vector.broadcast %div3A_759 : vector<100x1xf32> to vector<100x128xf32>
    %mul3A_761 = arith.mulf %slice3A_755, %mul3A_760 : vector<100x128xf32>
    %swap3A_762 = arith.constant 0 : index
    %swap3A_763 = arith.constant 18 : index
    %swap3A_764 = arith.constant 0 : index
    %swap3A_765 = vector.load %arg4[%swap3A_762, %swap3A_763, %swap3A_764] : memref<100x32x128xf32, #tpu.memory_space<vmem>>, vector<100x1x128xf32>
    %swap3A_766 = vector.shape_cast %swap3A_765 : vector<100x1x128xf32> to vector<100x128xf32>
    %swap3A_767 = vector.shape_cast %mul3A_761 : vector<100x128xf32> to vector<100x1x128xf32>
    tpu.vector_store %arg4[%swap3A_762, %swap3A_763, %swap3A_764], %swap3A_767 {strides = array<i32>} : memref<100x32x128xf32, #tpu.memory_space<vmem>>, vector<100x1x128xf32>,
    %get3A_768 = arith.constant 19 : index
    %get3A_769 = arith.constant 0 : index
    %get3A_770 = arith.constant 0 : index
    %get3A_771 = vector.load %arg2[%get3A_768, %get3A_769, %get3A_770] : memref<32x1x512xf32, #tpu.memory_space<vmem>>, vector<1x1x512xf32>
    %get3A_772 = vector.shape_cast %get3A_771 : vector<1x1x512xf32> to vector<1x512xf32>
    %reduce_max3A_773 = vector.shape_cast %get3A_772 : vector<1x512xf32> to vector<1x1x512xf32>
    %reduce_max3A_774 = arith.constant dense<0xFF800000> : vector<1xf32>
    %reduce_max3A_775 = vector.multi_reduction <maximumf>, %reduce_max3A_773, %reduce_max3A_774 [1, 2] : vector<1x1x512xf32> to vector<1xf32>
    %reduce_max3A_776 = vector.shape_cast %reduce_max3A_775 : vector<1xf32> to vector<1x1x1xf32>
    %reduce_max3A_777 = vector.extract %reduce_max3A_776[0, 0, 0] : f32 from vector<1x1x1xf32>
    %sub3A_778 = vector.broadcast %reduce_max3A_777 : f32 to vector<1x512xf32>
    %sub3A_779 = arith.subf %get3A_772, %sub3A_778 : vector<1x512xf32>
    %exp3A_780 = math.exp %sub3A_779 : vector<1x512xf32>
    %get3A_781 = arith.constant 0 : index
    %get3A_782 = arith.constant 0 : index
    %get3A_783 = vector.load %arg1[%get3A_781, %get3A_782] : memref<104x512xf32, #tpu.memory_space<vmem>>, vector<104x512xf32>
    %mul3A_784 = vector.broadcast %exp3A_780 : vector<1x512xf32> to vector<104x512xf32>
    %mul3A_785 = arith.mulf %get3A_783, %mul3A_784 : vector<104x512xf32>
    %reduce_sum3A_786 = arith.constant dense<0.000000e+00> : vector<104xf32>
    %reduce_sum3A_787 = vector.multi_reduction <add>, %mul3A_785, %reduce_sum3A_786 [1] : vector<104x512xf32> to vector<104xf32>
    %broadcast_in_dim3A_788 = vector.shape_cast %reduce_sum3A_787 : vector<104xf32> to vector<104x1xf32>
    %get3A_789 = arith.constant 19 : index
    %get3A_790 = arith.constant 0 : index
    %get3A_791 = arith.constant 0 : index
    %get3A_792 = vector.load %arg3[%get3A_789, %get3A_790, %get3A_791] : memref<32x512x128xf32, #tpu.memory_space<vmem>>, vector<1x512x128xf32>
    %get3A_793 = vector.shape_cast %get3A_792 : vector<1x512x128xf32> to vector<512x128xf32>
    %dot_general3A_794 = arith.constant dense<0.000000e+00> : vector<104x128xf32>
    %dot_general3A_795 = tpu.matmul %mul3A_785, %get3A_793, %dot_general3A_794 {dimension_numbers = #tpu.dot_dimension_numbers<[1], [0], [0], [1], [0, 0, 1, 1], [], []>, transpose_lhs_hint = false} : vector<104x512xf32>, vector<512x128xf32>, vector<104x128xf32> -> vector<104x128xf32>
    %slice3A_796 = vector.extract_strided_slice %dot_general3A_795 {offsets = [0, 0], sizes = [100, 128], strides = [1, 1]} : vector<104x128xf32> to vector<100x128xf32>
    %slice3A_797 = vector.extract_strided_slice %broadcast_in_dim3A_788 {offsets = [0, 0], sizes = [100, 1], strides = [1, 1]} : vector<104x1xf32> to vector<100x1xf32>
    %div3A_798 = arith.constant 1.000000e+00 : f32
    %div3A_799 = vector.broadcast %div3A_798 : f32 to vector<100x1xf32>
    %div3A_800 = arith.divf %div3A_799, %slice3A_797 : vector<100x1xf32>
    %mul3A_801 = vector.broadcast %div3A_800 : vector<100x1xf32> to vector<100x128xf32>
    %mul3A_802 = arith.mulf %slice3A_796, %mul3A_801 : vector<100x128xf32>
    %swap3A_803 = arith.constant 0 : index
    %swap3A_804 = arith.constant 19 : index
    %swap3A_805 = arith.constant 0 : index
    %swap3A_806 = vector.load %arg4[%swap3A_803, %swap3A_804, %swap3A_805] : memref<100x32x128xf32, #tpu.memory_space<vmem>>, vector<100x1x128xf32>
    %swap3A_807 = vector.shape_cast %swap3A_806 : vector<100x1x128xf32> to vector<100x128xf32>
    %swap3A_808 = vector.shape_cast %mul3A_802 : vector<100x128xf32> to vector<100x1x128xf32>
    tpu.vector_store %arg4[%swap3A_803, %swap3A_804, %swap3A_805], %swap3A_808 {strides = array<i32>} : memref<100x32x128xf32, #tpu.memory_space<vmem>>, vector<100x1x128xf32>,
    %get3A_809 = arith.constant 20 : index
    %get3A_810 = arith.constant 0 : index
    %get3A_811 = arith.constant 0 : index
    %get3A_812 = vector.load %arg2[%get3A_809, %get3A_810, %get3A_811] : memref<32x1x512xf32, #tpu.memory_space<vmem>>, vector<1x1x512xf32>
    %get3A_813 = vector.shape_cast %get3A_812 : vector<1x1x512xf32> to vector<1x512xf32>
    %reduce_max3A_814 = vector.shape_cast %get3A_813 : vector<1x512xf32> to vector<1x1x512xf32>
    %reduce_max3A_815 = arith.constant dense<0xFF800000> : vector<1xf32>
    %reduce_max3A_816 = vector.multi_reduction <maximumf>, %reduce_max3A_814, %reduce_max3A_815 [1, 2] : vector<1x1x512xf32> to vector<1xf32>
    %reduce_max3A_817 = vector.shape_cast %reduce_max3A_816 : vector<1xf32> to vector<1x1x1xf32>
    %reduce_max3A_818 = vector.extract %reduce_max3A_817[0, 0, 0] : f32 from vector<1x1x1xf32>
    %sub3A_819 = vector.broadcast %reduce_max3A_818 : f32 to vector<1x512xf32>
    %sub3A_820 = arith.subf %get3A_813, %sub3A_819 : vector<1x512xf32>
    %exp3A_821 = math.exp %sub3A_820 : vector<1x512xf32>
    %get3A_822 = arith.constant 0 : index
    %get3A_823 = arith.constant 0 : index
    %get3A_824 = vector.load %arg1[%get3A_822, %get3A_823] : memref<104x512xf32, #tpu.memory_space<vmem>>, vector<104x512xf32>
    %mul3A_825 = vector.broadcast %exp3A_821 : vector<1x512xf32> to vector<104x512xf32>
    %mul3A_826 = arith.mulf %get3A_824, %mul3A_825 : vector<104x512xf32>
    %reduce_sum3A_827 = arith.constant dense<0.000000e+00> : vector<104xf32>
    %reduce_sum3A_828 = vector.multi_reduction <add>, %mul3A_826, %reduce_sum3A_827 [1] : vector<104x512xf32> to vector<104xf32>
    %broadcast_in_dim3A_829 = vector.shape_cast %reduce_sum3A_828 : vector<104xf32> to vector<104x1xf32>
    %get3A_830 = arith.constant 20 : index
    %get3A_831 = arith.constant 0 : index
    %get3A_832 = arith.constant 0 : index
    %get3A_833 = vector.load %arg3[%get3A_830, %get3A_831, %get3A_832] : memref<32x512x128xf32, #tpu.memory_space<vmem>>, vector<1x512x128xf32>
    %get3A_834 = vector.shape_cast %get3A_833 : vector<1x512x128xf32> to vector<512x128xf32>
    %dot_general3A_835 = arith.constant dense<0.000000e+00> : vector<104x128xf32>
    %dot_general3A_836 = tpu.matmul %mul3A_826, %get3A_834, %dot_general3A_835 {dimension_numbers = #tpu.dot_dimension_numbers<[1], [0], [0], [1], [0, 0, 1, 1], [], []>, transpose_lhs_hint = false} : vector<104x512xf32>, vector<512x128xf32>, vector<104x128xf32> -> vector<104x128xf32>
    %slice3A_837 = vector.extract_strided_slice %dot_general3A_836 {offsets = [0, 0], sizes = [100, 128], strides = [1, 1]} : vector<104x128xf32> to vector<100x128xf32>
    %slice3A_838 = vector.extract_strided_slice %broadcast_in_dim3A_829 {offsets = [0, 0], sizes = [100, 1], strides = [1, 1]} : vector<104x1xf32> to vector<100x1xf32>
    %div3A_839 = arith.constant 1.000000e+00 : f32
    %div3A_840 = vector.broadcast %div3A_839 : f32 to vector<100x1xf32>
    %div3A_841 = arith.divf %div3A_840, %slice3A_838 : vector<100x1xf32>
    %mul3A_842 = vector.broadcast %div3A_841 : vector<100x1xf32> to vector<100x128xf32>
    %mul3A_843 = arith.mulf %slice3A_837, %mul3A_842 : vector<100x128xf32>
    %swap3A_844 = arith.constant 0 : index
    %swap3A_845 = arith.constant 20 : index
    %swap3A_846 = arith.constant 0 : index
    %swap3A_847 = vector.load %arg4[%swap3A_844, %swap3A_845, %swap3A_846] : memref<100x32x128xf32, #tpu.memory_space<vmem>>, vector<100x1x128xf32>
    %swap3A_848 = vector.shape_cast %swap3A_847 : vector<100x1x128xf32> to vector<100x128xf32>
    %swap3A_849 = vector.shape_cast %mul3A_843 : vector<100x128xf32> to vector<100x1x128xf32>
    tpu.vector_store %arg4[%swap3A_844, %swap3A_845, %swap3A_846], %swap3A_849 {strides = array<i32>} : memref<100x32x128xf32, #tpu.memory_space<vmem>>, vector<100x1x128xf32>,
    %get3A_850 = arith.constant 21 : index
    %get3A_851 = arith.constant 0 : index
    %get3A_852 = arith.constant 0 : index
    %get3A_853 = vector.load %arg2[%get3A_850, %get3A_851, %get3A_852] : memref<32x1x512xf32, #tpu.memory_space<vmem>>, vector<1x1x512xf32>
    %get3A_854 = vector.shape_cast %get3A_853 : vector<1x1x512xf32> to vector<1x512xf32>
    %reduce_max3A_855 = vector.shape_cast %get3A_854 : vector<1x512xf32> to vector<1x1x512xf32>
    %reduce_max3A_856 = arith.constant dense<0xFF800000> : vector<1xf32>
    %reduce_max3A_857 = vector.multi_reduction <maximumf>, %reduce_max3A_855, %reduce_max3A_856 [1, 2] : vector<1x1x512xf32> to vector<1xf32>
    %reduce_max3A_858 = vector.shape_cast %reduce_max3A_857 : vector<1xf32> to vector<1x1x1xf32>
    %reduce_max3A_859 = vector.extract %reduce_max3A_858[0, 0, 0] : f32 from vector<1x1x1xf32>
    %sub3A_860 = vector.broadcast %reduce_max3A_859 : f32 to vector<1x512xf32>
    %sub3A_861 = arith.subf %get3A_854, %sub3A_860 : vector<1x512xf32>
    %exp3A_862 = math.exp %sub3A_861 : vector<1x512xf32>
    %get3A_863 = arith.constant 0 : index
    %get3A_864 = arith.constant 0 : index
    %get3A_865 = vector.load %arg1[%get3A_863, %get3A_864] : memref<104x512xf32, #tpu.memory_space<vmem>>, vector<104x512xf32>
    %mul3A_866 = vector.broadcast %exp3A_862 : vector<1x512xf32> to vector<104x512xf32>
    %mul3A_867 = arith.mulf %get3A_865, %mul3A_866 : vector<104x512xf32>
    %reduce_sum3A_868 = arith.constant dense<0.000000e+00> : vector<104xf32>
    %reduce_sum3A_869 = vector.multi_reduction <add>, %mul3A_867, %reduce_sum3A_868 [1] : vector<104x512xf32> to vector<104xf32>
    %broadcast_in_dim3A_870 = vector.shape_cast %reduce_sum3A_869 : vector<104xf32> to vector<104x1xf32>
    %get3A_871 = arith.constant 21 : index
    %get3A_872 = arith.constant 0 : index
    %get3A_873 = arith.constant 0 : index
    %get3A_874 = vector.load %arg3[%get3A_871, %get3A_872, %get3A_873] : memref<32x512x128xf32, #tpu.memory_space<vmem>>, vector<1x512x128xf32>
    %get3A_875 = vector.shape_cast %get3A_874 : vector<1x512x128xf32> to vector<512x128xf32>
    %dot_general3A_876 = arith.constant dense<0.000000e+00> : vector<104x128xf32>
    %dot_general3A_877 = tpu.matmul %mul3A_867, %get3A_875, %dot_general3A_876 {dimension_numbers = #tpu.dot_dimension_numbers<[1], [0], [0], [1], [0, 0, 1, 1], [], []>, transpose_lhs_hint = false} : vector<104x512xf32>, vector<512x128xf32>, vector<104x128xf32> -> vector<104x128xf32>
    %slice3A_878 = vector.extract_strided_slice %dot_general3A_877 {offsets = [0, 0], sizes = [100, 128], strides = [1, 1]} : vector<104x128xf32> to vector<100x128xf32>
    %slice3A_879 = vector.extract_strided_slice %broadcast_in_dim3A_870 {offsets = [0, 0], sizes = [100, 1], strides = [1, 1]} : vector<104x1xf32> to vector<100x1xf32>
    %div3A_880 = arith.constant 1.000000e+00 : f32
    %div3A_881 = vector.broadcast %div3A_880 : f32 to vector<100x1xf32>
    %div3A_882 = arith.divf %div3A_881, %slice3A_879 : vector<100x1xf32>
    %mul3A_883 = vector.broadcast %div3A_882 : vector<100x1xf32> to vector<100x128xf32>
    %mul3A_884 = arith.mulf %slice3A_878, %mul3A_883 : vector<100x128xf32>
    %swap3A_885 = arith.constant 0 : index
    %swap3A_886 = arith.constant 21 : index
    %swap3A_887 = arith.constant 0 : index
    %swap3A_888 = vector.load %arg4[%swap3A_885, %swap3A_886, %swap3A_887] : memref<100x32x128xf32, #tpu.memory_space<vmem>>, vector<100x1x128xf32>
    %swap3A_889 = vector.shape_cast %swap3A_888 : vector<100x1x128xf32> to vector<100x128xf32>
    %swap3A_890 = vector.shape_cast %mul3A_884 : vector<100x128xf32> to vector<100x1x128xf32>
    tpu.vector_store %arg4[%swap3A_885, %swap3A_886, %swap3A_887], %swap3A_890 {strides = array<i32>} : memref<100x32x128xf32, #tpu.memory_space<vmem>>, vector<100x1x128xf32>,
    %get3A_891 = arith.constant 22 : index
    %get3A_892 = arith.constant 0 : index
    %get3A_893 = arith.constant 0 : index
    %get3A_894 = vector.load %arg2[%get3A_891, %get3A_892, %get3A_893] : memref<32x1x512xf32, #tpu.memory_space<vmem>>, vector<1x1x512xf32>
    %get3A_895 = vector.shape_cast %get3A_894 : vector<1x1x512xf32> to vector<1x512xf32>
    %reduce_max3A_896 = vector.shape_cast %get3A_895 : vector<1x512xf32> to vector<1x1x512xf32>
    %reduce_max3A_897 = arith.constant dense<0xFF800000> : vector<1xf32>
    %reduce_max3A_898 = vector.multi_reduction <maximumf>, %reduce_max3A_896, %reduce_max3A_897 [1, 2] : vector<1x1x512xf32> to vector<1xf32>
    %reduce_max3A_899 = vector.shape_cast %reduce_max3A_898 : vector<1xf32> to vector<1x1x1xf32>
    %reduce_max3A_900 = vector.extract %reduce_max3A_899[0, 0, 0] : f32 from vector<1x1x1xf32>
    %sub3A_901 = vector.broadcast %reduce_max3A_900 : f32 to vector<1x512xf32>
    %sub3A_902 = arith.subf %get3A_895, %sub3A_901 : vector<1x512xf32>
    %exp3A_903 = math.exp %sub3A_902 : vector<1x512xf32>
    %get3A_904 = arith.constant 0 : index
    %get3A_905 = arith.constant 0 : index
    %get3A_906 = vector.load %arg1[%get3A_904, %get3A_905] : memref<104x512xf32, #tpu.memory_space<vmem>>, vector<104x512xf32>
    %mul3A_907 = vector.broadcast %exp3A_903 : vector<1x512xf32> to vector<104x512xf32>
    %mul3A_908 = arith.mulf %get3A_906, %mul3A_907 : vector<104x512xf32>
    %reduce_sum3A_909 = arith.constant dense<0.000000e+00> : vector<104xf32>
    %reduce_sum3A_910 = vector.multi_reduction <add>, %mul3A_908, %reduce_sum3A_909 [1] : vector<104x512xf32> to vector<104xf32>
    %broadcast_in_dim3A_911 = vector.shape_cast %reduce_sum3A_910 : vector<104xf32> to vector<104x1xf32>
    %get3A_912 = arith.constant 22 : index
    %get3A_913 = arith.constant 0 : index
    %get3A_914 = arith.constant 0 : index
    %get3A_915 = vector.load %arg3[%get3A_912, %get3A_913, %get3A_914] : memref<32x512x128xf32, #tpu.memory_space<vmem>>, vector<1x512x128xf32>
    %get3A_916 = vector.shape_cast %get3A_915 : vector<1x512x128xf32> to vector<512x128xf32>
    %dot_general3A_917 = arith.constant dense<0.000000e+00> : vector<104x128xf32>
    %dot_general3A_918 = tpu.matmul %mul3A_908, %get3A_916, %dot_general3A_917 {dimension_numbers = #tpu.dot_dimension_numbers<[1], [0], [0], [1], [0, 0, 1, 1], [], []>, transpose_lhs_hint = false} : vector<104x512xf32>, vector<512x128xf32>, vector<104x128xf32> -> vector<104x128xf32>
    %slice3A_919 = vector.extract_strided_slice %dot_general3A_918 {offsets = [0, 0], sizes = [100, 128], strides = [1, 1]} : vector<104x128xf32> to vector<100x128xf32>
    %slice3A_920 = vector.extract_strided_slice %broadcast_in_dim3A_911 {offsets = [0, 0], sizes = [100, 1], strides = [1, 1]} : vector<104x1xf32> to vector<100x1xf32>
    %div3A_921 = arith.constant 1.000000e+00 : f32
    %div3A_922 = vector.broadcast %div3A_921 : f32 to vector<100x1xf32>
    %div3A_923 = arith.divf %div3A_922, %slice3A_920 : vector<100x1xf32>
    %mul3A_924 = vector.broadcast %div3A_923 : vector<100x1xf32> to vector<100x128xf32>
    %mul3A_925 = arith.mulf %slice3A_919, %mul3A_924 : vector<100x128xf32>
    %swap3A_926 = arith.constant 0 : index
    %swap3A_927 = arith.constant 22 : index
    %swap3A_928 = arith.constant 0 : index
    %swap3A_929 = vector.load %arg4[%swap3A_926, %swap3A_927, %swap3A_928] : memref<100x32x128xf32, #tpu.memory_space<vmem>>, vector<100x1x128xf32>
    %swap3A_930 = vector.shape_cast %swap3A_929 : vector<100x1x128xf32> to vector<100x128xf32>
    %swap3A_931 = vector.shape_cast %mul3A_925 : vector<100x128xf32> to vector<100x1x128xf32>
    tpu.vector_store %arg4[%swap3A_926, %swap3A_927, %swap3A_928], %swap3A_931 {strides = array<i32>} : memref<100x32x128xf32, #tpu.memory_space<vmem>>, vector<100x1x128xf32>,
    %get3A_932 = arith.constant 23 : index
    %get3A_933 = arith.constant 0 : index
    %get3A_934 = arith.constant 0 : index
    %get3A_935 = vector.load %arg2[%get3A_932, %get3A_933, %get3A_934] : memref<32x1x512xf32, #tpu.memory_space<vmem>>, vector<1x1x512xf32>
    %get3A_936 = vector.shape_cast %get3A_935 : vector<1x1x512xf32> to vector<1x512xf32>
    %reduce_max3A_937 = vector.shape_cast %get3A_936 : vector<1x512xf32> to vector<1x1x512xf32>
    %reduce_max3A_938 = arith.constant dense<0xFF800000> : vector<1xf32>
    %reduce_max3A_939 = vector.multi_reduction <maximumf>, %reduce_max3A_937, %reduce_max3A_938 [1, 2] : vector<1x1x512xf32> to vector<1xf32>
    %reduce_max3A_940 = vector.shape_cast %reduce_max3A_939 : vector<1xf32> to vector<1x1x1xf32>
    %reduce_max3A_941 = vector.extract %reduce_max3A_940[0, 0, 0] : f32 from vector<1x1x1xf32>
    %sub3A_942 = vector.broadcast %reduce_max3A_941 : f32 to vector<1x512xf32>
    %sub3A_943 = arith.subf %get3A_936, %sub3A_942 : vector<1x512xf32>
    %exp3A_944 = math.exp %sub3A_943 : vector<1x512xf32>
    %get3A_945 = arith.constant 0 : index
    %get3A_946 = arith.constant 0 : index
    %get3A_947 = vector.load %arg1[%get3A_945, %get3A_946] : memref<104x512xf32, #tpu.memory_space<vmem>>, vector<104x512xf32>
    %mul3A_948 = vector.broadcast %exp3A_944 : vector<1x512xf32> to vector<104x512xf32>
    %mul3A_949 = arith.mulf %get3A_947, %mul3A_948 : vector<104x512xf32>
    %reduce_sum3A_950 = arith.constant dense<0.000000e+00> : vector<104xf32>
    %reduce_sum3A_951 = vector.multi_reduction <add>, %mul3A_949, %reduce_sum3A_950 [1] : vector<104x512xf32> to vector<104xf32>
    %broadcast_in_dim3A_952 = vector.shape_cast %reduce_sum3A_951 : vector<104xf32> to vector<104x1xf32>
    %get3A_953 = arith.constant 23 : index
    %get3A_954 = arith.constant 0 : index
    %get3A_955 = arith.constant 0 : index
    %get3A_956 = vector.load %arg3[%get3A_953, %get3A_954, %get3A_955] : memref<32x512x128xf32, #tpu.memory_space<vmem>>, vector<1x512x128xf32>
    %get3A_957 = vector.shape_cast %get3A_956 : vector<1x512x128xf32> to vector<512x128xf32>
    %dot_general3A_958 = arith.constant dense<0.000000e+00> : vector<104x128xf32>
    %dot_general3A_959 = tpu.matmul %mul3A_949, %get3A_957, %dot_general3A_958 {dimension_numbers = #tpu.dot_dimension_numbers<[1], [0], [0], [1], [0, 0, 1, 1], [], []>, transpose_lhs_hint = false} : vector<104x512xf32>, vector<512x128xf32>, vector<104x128xf32> -> vector<104x128xf32>
    %slice3A_960 = vector.extract_strided_slice %dot_general3A_959 {offsets = [0, 0], sizes = [100, 128], strides = [1, 1]} : vector<104x128xf32> to vector<100x128xf32>
    %slice3A_961 = vector.extract_strided_slice %broadcast_in_dim3A_952 {offsets = [0, 0], sizes = [100, 1], strides = [1, 1]} : vector<104x1xf32> to vector<100x1xf32>
    %div3A_962 = arith.constant 1.000000e+00 : f32
    %div3A_963 = vector.broadcast %div3A_962 : f32 to vector<100x1xf32>
    %div3A_964 = arith.divf %div3A_963, %slice3A_961 : vector<100x1xf32>
    %mul3A_965 = vector.broadcast %div3A_964 : vector<100x1xf32> to vector<100x128xf32>
    %mul3A_966 = arith.mulf %slice3A_960, %mul3A_965 : vector<100x128xf32>
    %swap3A_967 = arith.constant 0 : index
    %swap3A_968 = arith.constant 23 : index
    %swap3A_969 = arith.constant 0 : index
    %swap3A_970 = vector.load %arg4[%swap3A_967, %swap3A_968, %swap3A_969] : memref<100x32x128xf32, #tpu.memory_space<vmem>>, vector<100x1x128xf32>
    %swap3A_971 = vector.shape_cast %swap3A_970 : vector<100x1x128xf32> to vector<100x128xf32>
    %swap3A_972 = vector.shape_cast %mul3A_966 : vector<100x128xf32> to vector<100x1x128xf32>
    tpu.vector_store %arg4[%swap3A_967, %swap3A_968, %swap3A_969], %swap3A_972 {strides = array<i32>} : memref<100x32x128xf32, #tpu.memory_space<vmem>>, vector<100x1x128xf32>,
    %get3A_973 = arith.constant 24 : index
    %get3A_974 = arith.constant 0 : index
    %get3A_975 = arith.constant 0 : index
    %get3A_976 = vector.load %arg2[%get3A_973, %get3A_974, %get3A_975] : memref<32x1x512xf32, #tpu.memory_space<vmem>>, vector<1x1x512xf32>
    %get3A_977 = vector.shape_cast %get3A_976 : vector<1x1x512xf32> to vector<1x512xf32>
    %reduce_max3A_978 = vector.shape_cast %get3A_977 : vector<1x512xf32> to vector<1x1x512xf32>
    %reduce_max3A_979 = arith.constant dense<0xFF800000> : vector<1xf32>
    %reduce_max3A_980 = vector.multi_reduction <maximumf>, %reduce_max3A_978, %reduce_max3A_979 [1, 2] : vector<1x1x512xf32> to vector<1xf32>
    %reduce_max3A_981 = vector.shape_cast %reduce_max3A_980 : vector<1xf32> to vector<1x1x1xf32>
    %reduce_max3A_982 = vector.extract %reduce_max3A_981[0, 0, 0] : f32 from vector<1x1x1xf32>
    %sub3A_983 = vector.broadcast %reduce_max3A_982 : f32 to vector<1x512xf32>
    %sub3A_984 = arith.subf %get3A_977, %sub3A_983 : vector<1x512xf32>
    %exp3A_985 = math.exp %sub3A_984 : vector<1x512xf32>
    %get3A_986 = arith.constant 0 : index
    %get3A_987 = arith.constant 0 : index
    %get3A_988 = vector.load %arg1[%get3A_986, %get3A_987] : memref<104x512xf32, #tpu.memory_space<vmem>>, vector<104x512xf32>
    %mul3A_989 = vector.broadcast %exp3A_985 : vector<1x512xf32> to vector<104x512xf32>
    %mul3A_990 = arith.mulf %get3A_988, %mul3A_989 : vector<104x512xf32>
    %reduce_sum3A_991 = arith.constant dense<0.000000e+00> : vector<104xf32>
    %reduce_sum3A_992 = vector.multi_reduction <add>, %mul3A_990, %reduce_sum3A_991 [1] : vector<104x512xf32> to vector<104xf32>
    %broadcast_in_dim3A_993 = vector.shape_cast %reduce_sum3A_992 : vector<104xf32> to vector<104x1xf32>
    %get3A_994 = arith.constant 24 : index
    %get3A_995 = arith.constant 0 : index
    %get3A_996 = arith.constant 0 : index
    %get3A_997 = vector.load %arg3[%get3A_994, %get3A_995, %get3A_996] : memref<32x512x128xf32, #tpu.memory_space<vmem>>, vector<1x512x128xf32>
    %get3A_998 = vector.shape_cast %get3A_997 : vector<1x512x128xf32> to vector<512x128xf32>
    %dot_general3A_999 = arith.constant dense<0.000000e+00> : vector<104x128xf32>
    %dot_general3A_1000 = tpu.matmul %mul3A_990, %get3A_998, %dot_general3A_999 {dimension_numbers = #tpu.dot_dimension_numbers<[1], [0], [0], [1], [0, 0, 1, 1], [], []>, transpose_lhs_hint = false} : vector<104x512xf32>, vector<512x128xf32>, vector<104x128xf32> -> vector<104x128xf32>
    %slice3A_1001 = vector.extract_strided_slice %dot_general3A_1000 {offsets = [0, 0], sizes = [100, 128], strides = [1, 1]} : vector<104x128xf32> to vector<100x128xf32>
    %slice3A_1002 = vector.extract_strided_slice %broadcast_in_dim3A_993 {offsets = [0, 0], sizes = [100, 1], strides = [1, 1]} : vector<104x1xf32> to vector<100x1xf32>
    %div3A_1003 = arith.constant 1.000000e+00 : f32
    %div3A_1004 = vector.broadcast %div3A_1003 : f32 to vector<100x1xf32>
    %div3A_1005 = arith.divf %div3A_1004, %slice3A_1002 : vector<100x1xf32>
    %mul3A_1006 = vector.broadcast %div3A_1005 : vector<100x1xf32> to vector<100x128xf32>
    %mul3A_1007 = arith.mulf %slice3A_1001, %mul3A_1006 : vector<100x128xf32>
    %swap3A_1008 = arith.constant 0 : index
    %swap3A_1009 = arith.constant 24 : index
    %swap3A_1010 = arith.constant 0 : index
    %swap3A_1011 = vector.load %arg4[%swap3A_1008, %swap3A_1009, %swap3A_1010] : memref<100x32x128xf32, #tpu.memory_space<vmem>>, vector<100x1x128xf32>
    %swap3A_1012 = vector.shape_cast %swap3A_1011 : vector<100x1x128xf32> to vector<100x128xf32>
    %swap3A_1013 = vector.shape_cast %mul3A_1007 : vector<100x128xf32> to vector<100x1x128xf32>
    tpu.vector_store %arg4[%swap3A_1008, %swap3A_1009, %swap3A_1010], %swap3A_1013 {strides = array<i32>} : memref<100x32x128xf32, #tpu.memory_space<vmem>>, vector<100x1x128xf32>,
    %get3A_1014 = arith.constant 25 : index
    %get3A_1015 = arith.constant 0 : index
    %get3A_1016 = arith.constant 0 : index
    %get3A_1017 = vector.load %arg2[%get3A_1014, %get3A_1015, %get3A_1016] : memref<32x1x512xf32, #tpu.memory_space<vmem>>, vector<1x1x512xf32>
    %get3A_1018 = vector.shape_cast %get3A_1017 : vector<1x1x512xf32> to vector<1x512xf32>
    %reduce_max3A_1019 = vector.shape_cast %get3A_1018 : vector<1x512xf32> to vector<1x1x512xf32>
    %reduce_max3A_1020 = arith.constant dense<0xFF800000> : vector<1xf32>
    %reduce_max3A_1021 = vector.multi_reduction <maximumf>, %reduce_max3A_1019, %reduce_max3A_1020 [1, 2] : vector<1x1x512xf32> to vector<1xf32>
    %reduce_max3A_1022 = vector.shape_cast %reduce_max3A_1021 : vector<1xf32> to vector<1x1x1xf32>
    %reduce_max3A_1023 = vector.extract %reduce_max3A_1022[0, 0, 0] : f32 from vector<1x1x1xf32>
    %sub3A_1024 = vector.broadcast %reduce_max3A_1023 : f32 to vector<1x512xf32>
    %sub3A_1025 = arith.subf %get3A_1018, %sub3A_1024 : vector<1x512xf32>
    %exp3A_1026 = math.exp %sub3A_1025 : vector<1x512xf32>
    %get3A_1027 = arith.constant 0 : index
    %get3A_1028 = arith.constant 0 : index
    %get3A_1029 = vector.load %arg1[%get3A_1027, %get3A_1028] : memref<104x512xf32, #tpu.memory_space<vmem>>, vector<104x512xf32>
    %mul3A_1030 = vector.broadcast %exp3A_1026 : vector<1x512xf32> to vector<104x512xf32>
    %mul3A_1031 = arith.mulf %get3A_1029, %mul3A_1030 : vector<104x512xf32>
    %reduce_sum3A_1032 = arith.constant dense<0.000000e+00> : vector<104xf32>
    %reduce_sum3A_1033 = vector.multi_reduction <add>, %mul3A_1031, %reduce_sum3A_1032 [1] : vector<104x512xf32> to vector<104xf32>
    %broadcast_in_dim3A_1034 = vector.shape_cast %reduce_sum3A_1033 : vector<104xf32> to vector<104x1xf32>
    %get3A_1035 = arith.constant 25 : index
    %get3A_1036 = arith.constant 0 : index
    %get3A_1037 = arith.constant 0 : index
    %get3A_1038 = vector.load %arg3[%get3A_1035, %get3A_1036, %get3A_1037] : memref<32x512x128xf32, #tpu.memory_space<vmem>>, vector<1x512x128xf32>
    %get3A_1039 = vector.shape_cast %get3A_1038 : vector<1x512x128xf32> to vector<512x128xf32>
    %dot_general3A_1040 = arith.constant dense<0.000000e+00> : vector<104x128xf32>
    %dot_general3A_1041 = tpu.matmul %mul3A_1031, %get3A_1039, %dot_general3A_1040 {dimension_numbers = #tpu.dot_dimension_numbers<[1], [0], [0], [1], [0, 0, 1, 1], [], []>, transpose_lhs_hint = false} : vector<104x512xf32>, vector<512x128xf32>, vector<104x128xf32> -> vector<104x128xf32>
    %slice3A_1042 = vector.extract_strided_slice %dot_general3A_1041 {offsets = [0, 0], sizes = [100, 128], strides = [1, 1]} : vector<104x128xf32> to vector<100x128xf32>
    %slice3A_1043 = vector.extract_strided_slice %broadcast_in_dim3A_1034 {offsets = [0, 0], sizes = [100, 1], strides = [1, 1]} : vector<104x1xf32> to vector<100x1xf32>
    %div3A_1044 = arith.constant 1.000000e+00 : f32
    %div3A_1045 = vector.broadcast %div3A_1044 : f32 to vector<100x1xf32>
    %div3A_1046 = arith.divf %div3A_1045, %slice3A_1043 : vector<100x1xf32>
    %mul3A_1047 = vector.broadcast %div3A_1046 : vector<100x1xf32> to vector<100x128xf32>
    %mul3A_1048 = arith.mulf %slice3A_1042, %mul3A_1047 : vector<100x128xf32>
    %swap3A_1049 = arith.constant 0 : index
    %swap3A_1050 = arith.constant 25 : index
    %swap3A_1051 = arith.constant 0 : index
    %swap3A_1052 = vector.load %arg4[%swap3A_1049, %swap3A_1050, %swap3A_1051] : memref<100x32x128xf32, #tpu.memory_space<vmem>>, vector<100x1x128xf32>
    %swap3A_1053 = vector.shape_cast %swap3A_1052 : vector<100x1x128xf32> to vector<100x128xf32>
    %swap3A_1054 = vector.shape_cast %mul3A_1048 : vector<100x128xf32> to vector<100x1x128xf32>
    tpu.vector_store %arg4[%swap3A_1049, %swap3A_1050, %swap3A_1051], %swap3A_1054 {strides = array<i32>} : memref<100x32x128xf32, #tpu.memory_space<vmem>>, vector<100x1x128xf32>,
    %get3A_1055 = arith.constant 26 : index
    %get3A_1056 = arith.constant 0 : index
    %get3A_1057 = arith.constant 0 : index
    %get3A_1058 = vector.load %arg2[%get3A_1055, %get3A_1056, %get3A_1057] : memref<32x1x512xf32, #tpu.memory_space<vmem>>, vector<1x1x512xf32>
    %get3A_1059 = vector.shape_cast %get3A_1058 : vector<1x1x512xf32> to vector<1x512xf32>
    %reduce_max3A_1060 = vector.shape_cast %get3A_1059 : vector<1x512xf32> to vector<1x1x512xf32>
    %reduce_max3A_1061 = arith.constant dense<0xFF800000> : vector<1xf32>
    %reduce_max3A_1062 = vector.multi_reduction <maximumf>, %reduce_max3A_1060, %reduce_max3A_1061 [1, 2] : vector<1x1x512xf32> to vector<1xf32>
    %reduce_max3A_1063 = vector.shape_cast %reduce_max3A_1062 : vector<1xf32> to vector<1x1x1xf32>
    %reduce_max3A_1064 = vector.extract %reduce_max3A_1063[0, 0, 0] : f32 from vector<1x1x1xf32>
    %sub3A_1065 = vector.broadcast %reduce_max3A_1064 : f32 to vector<1x512xf32>
    %sub3A_1066 = arith.subf %get3A_1059, %sub3A_1065 : vector<1x512xf32>
    %exp3A_1067 = math.exp %sub3A_1066 : vector<1x512xf32>
    %get3A_1068 = arith.constant 0 : index
    %get3A_1069 = arith.constant 0 : index
    %get3A_1070 = vector.load %arg1[%get3A_1068, %get3A_1069] : memref<104x512xf32, #tpu.memory_space<vmem>>, vector<104x512xf32>
    %mul3A_1071 = vector.broadcast %exp3A_1067 : vector<1x512xf32> to vector<104x512xf32>
    %mul3A_1072 = arith.mulf %get3A_1070, %mul3A_1071 : vector<104x512xf32>
    %reduce_sum3A_1073 = arith.constant dense<0.000000e+00> : vector<104xf32>
    %reduce_sum3A_1074 = vector.multi_reduction <add>, %mul3A_1072, %reduce_sum3A_1073 [1] : vector<104x512xf32> to vector<104xf32>
    %broadcast_in_dim3A_1075 = vector.shape_cast %reduce_sum3A_1074 : vector<104xf32> to vector<104x1xf32>
    %get3A_1076 = arith.constant 26 : index
    %get3A_1077 = arith.constant 0 : index
    %get3A_1078 = arith.constant 0 : index
    %get3A_1079 = vector.load %arg3[%get3A_1076, %get3A_1077, %get3A_1078] : memref<32x512x128xf32, #tpu.memory_space<vmem>>, vector<1x512x128xf32>
    %get3A_1080 = vector.shape_cast %get3A_1079 : vector<1x512x128xf32> to vector<512x128xf32>
    %dot_general3A_1081 = arith.constant dense<0.000000e+00> : vector<104x128xf32>
    %dot_general3A_1082 = tpu.matmul %mul3A_1072, %get3A_1080, %dot_general3A_1081 {dimension_numbers = #tpu.dot_dimension_numbers<[1], [0], [0], [1], [0, 0, 1, 1], [], []>, transpose_lhs_hint = false} : vector<104x512xf32>, vector<512x128xf32>, vector<104x128xf32> -> vector<104x128xf32>
    %slice3A_1083 = vector.extract_strided_slice %dot_general3A_1082 {offsets = [0, 0], sizes = [100, 128], strides = [1, 1]} : vector<104x128xf32> to vector<100x128xf32>
    %slice3A_1084 = vector.extract_strided_slice %broadcast_in_dim3A_1075 {offsets = [0, 0], sizes = [100, 1], strides = [1, 1]} : vector<104x1xf32> to vector<100x1xf32>
    %div3A_1085 = arith.constant 1.000000e+00 : f32
    %div3A_1086 = vector.broadcast %div3A_1085 : f32 to vector<100x1xf32>
    %div3A_1087 = arith.divf %div3A_1086, %slice3A_1084 : vector<100x1xf32>
    %mul3A_1088 = vector.broadcast %div3A_1087 : vector<100x1xf32> to vector<100x128xf32>
    %mul3A_1089 = arith.mulf %slice3A_1083, %mul3A_1088 : vector<100x128xf32>
    %swap3A_1090 = arith.constant 0 : index
    %swap3A_1091 = arith.constant 26 : index
    %swap3A_1092 = arith.constant 0 : index
    %swap3A_1093 = vector.load %arg4[%swap3A_1090, %swap3A_1091, %swap3A_1092] : memref<100x32x128xf32, #tpu.memory_space<vmem>>, vector<100x1x128xf32>
    %swap3A_1094 = vector.shape_cast %swap3A_1093 : vector<100x1x128xf32> to vector<100x128xf32>
    %swap3A_1095 = vector.shape_cast %mul3A_1089 : vector<100x128xf32> to vector<100x1x128xf32>
    tpu.vector_store %arg4[%swap3A_1090, %swap3A_1091, %swap3A_1092], %swap3A_1095 {strides = array<i32>} : memref<100x32x128xf32, #tpu.memory_space<vmem>>, vector<100x1x128xf32>,
    %get3A_1096 = arith.constant 27 : index
    %get3A_1097 = arith.constant 0 : index
    %get3A_1098 = arith.constant 0 : index
    %get3A_1099 = vector.load %arg2[%get3A_1096, %get3A_1097, %get3A_1098] : memref<32x1x512xf32, #tpu.memory_space<vmem>>, vector<1x1x512xf32>
    %get3A_1100 = vector.shape_cast %get3A_1099 : vector<1x1x512xf32> to vector<1x512xf32>
    %reduce_max3A_1101 = vector.shape_cast %get3A_1100 : vector<1x512xf32> to vector<1x1x512xf32>
    %reduce_max3A_1102 = arith.constant dense<0xFF800000> : vector<1xf32>
    %reduce_max3A_1103 = vector.multi_reduction <maximumf>, %reduce_max3A_1101, %reduce_max3A_1102 [1, 2] : vector<1x1x512xf32> to vector<1xf32>
    %reduce_max3A_1104 = vector.shape_cast %reduce_max3A_1103 : vector<1xf32> to vector<1x1x1xf32>
    %reduce_max3A_1105 = vector.extract %reduce_max3A_1104[0, 0, 0] : f32 from vector<1x1x1xf32>
    %sub3A_1106 = vector.broadcast %reduce_max3A_1105 : f32 to vector<1x512xf32>
    %sub3A_1107 = arith.subf %get3A_1100, %sub3A_1106 : vector<1x512xf32>
    %exp3A_1108 = math.exp %sub3A_1107 : vector<1x512xf32>
    %get3A_1109 = arith.constant 0 : index
    %get3A_1110 = arith.constant 0 : index
    %get3A_1111 = vector.load %arg1[%get3A_1109, %get3A_1110] : memref<104x512xf32, #tpu.memory_space<vmem>>, vector<104x512xf32>
    %mul3A_1112 = vector.broadcast %exp3A_1108 : vector<1x512xf32> to vector<104x512xf32>
    %mul3A_1113 = arith.mulf %get3A_1111, %mul3A_1112 : vector<104x512xf32>
    %reduce_sum3A_1114 = arith.constant dense<0.000000e+00> : vector<104xf32>
    %reduce_sum3A_1115 = vector.multi_reduction <add>, %mul3A_1113, %reduce_sum3A_1114 [1] : vector<104x512xf32> to vector<104xf32>
    %broadcast_in_dim3A_1116 = vector.shape_cast %reduce_sum3A_1115 : vector<104xf32> to vector<104x1xf32>
    %get3A_1117 = arith.constant 27 : index
    %get3A_1118 = arith.constant 0 : index
    %get3A_1119 = arith.constant 0 : index
    %get3A_1120 = vector.load %arg3[%get3A_1117, %get3A_1118, %get3A_1119] : memref<32x512x128xf32, #tpu.memory_space<vmem>>, vector<1x512x128xf32>
    %get3A_1121 = vector.shape_cast %get3A_1120 : vector<1x512x128xf32> to vector<512x128xf32>
    %dot_general3A_1122 = arith.constant dense<0.000000e+00> : vector<104x128xf32>
    %dot_general3A_1123 = tpu.matmul %mul3A_1113, %get3A_1121, %dot_general3A_1122 {dimension_numbers = #tpu.dot_dimension_numbers<[1], [0], [0], [1], [0, 0, 1, 1], [], []>, transpose_lhs_hint = false} : vector<104x512xf32>, vector<512x128xf32>, vector<104x128xf32> -> vector<104x128xf32>
    %slice3A_1124 = vector.extract_strided_slice %dot_general3A_1123 {offsets = [0, 0], sizes = [100, 128], strides = [1, 1]} : vector<104x128xf32> to vector<100x128xf32>
    %slice3A_1125 = vector.extract_strided_slice %broadcast_in_dim3A_1116 {offsets = [0, 0], sizes = [100, 1], strides = [1, 1]} : vector<104x1xf32> to vector<100x1xf32>
    %div3A_1126 = arith.constant 1.000000e+00 : f32
    %div3A_1127 = vector.broadcast %div3A_1126 : f32 to vector<100x1xf32>
    %div3A_1128 = arith.divf %div3A_1127, %slice3A_1125 : vector<100x1xf32>
    %mul3A_1129 = vector.broadcast %div3A_1128 : vector<100x1xf32> to vector<100x128xf32>
    %mul3A_1130 = arith.mulf %slice3A_1124, %mul3A_1129 : vector<100x128xf32>
    %swap3A_1131 = arith.constant 0 : index
    %swap3A_1132 = arith.constant 27 : index
    %swap3A_1133 = arith.constant 0 : index
    %swap3A_1134 = vector.load %arg4[%swap3A_1131, %swap3A_1132, %swap3A_1133] : memref<100x32x128xf32, #tpu.memory_space<vmem>>, vector<100x1x128xf32>
    %swap3A_1135 = vector.shape_cast %swap3A_1134 : vector<100x1x128xf32> to vector<100x128xf32>
    %swap3A_1136 = vector.shape_cast %mul3A_1130 : vector<100x128xf32> to vector<100x1x128xf32>
    tpu.vector_store %arg4[%swap3A_1131, %swap3A_1132, %swap3A_1133], %swap3A_1136 {strides = array<i32>} : memref<100x32x128xf32, #tpu.memory_space<vmem>>, vector<100x1x128xf32>,
    %get3A_1137 = arith.constant 28 : index
    %get3A_1138 = arith.constant 0 : index
    %get3A_1139 = arith.constant 0 : index
    %get3A_1140 = vector.load %arg2[%get3A_1137, %get3A_1138, %get3A_1139] : memref<32x1x512xf32, #tpu.memory_space<vmem>>, vector<1x1x512xf32>
    %get3A_1141 = vector.shape_cast %get3A_1140 : vector<1x1x512xf32> to vector<1x512xf32>
    %reduce_max3A_1142 = vector.shape_cast %get3A_1141 : vector<1x512xf32> to vector<1x1x512xf32>
    %reduce_max3A_1143 = arith.constant dense<0xFF800000> : vector<1xf32>
    %reduce_max3A_1144 = vector.multi_reduction <maximumf>, %reduce_max3A_1142, %reduce_max3A_1143 [1, 2] : vector<1x1x512xf32> to vector<1xf32>
    %reduce_max3A_1145 = vector.shape_cast %reduce_max3A_1144 : vector<1xf32> to vector<1x1x1xf32>
    %reduce_max3A_1146 = vector.extract %reduce_max3A_1145[0, 0, 0] : f32 from vector<1x1x1xf32>
    %sub3A_1147 = vector.broadcast %reduce_max3A_1146 : f32 to vector<1x512xf32>
    %sub3A_1148 = arith.subf %get3A_1141, %sub3A_1147 : vector<1x512xf32>
    %exp3A_1149 = math.exp %sub3A_1148 : vector<1x512xf32>
    %get3A_1150 = arith.constant 0 : index
    %get3A_1151 = arith.constant 0 : index
    %get3A_1152 = vector.load %arg1[%get3A_1150, %get3A_1151] : memref<104x512xf32, #tpu.memory_space<vmem>>, vector<104x512xf32>
    %mul3A_1153 = vector.broadcast %exp3A_1149 : vector<1x512xf32> to vector<104x512xf32>
    %mul3A_1154 = arith.mulf %get3A_1152, %mul3A_1153 : vector<104x512xf32>
    %reduce_sum3A_1155 = arith.constant dense<0.000000e+00> : vector<104xf32>
    %reduce_sum3A_1156 = vector.multi_reduction <add>, %mul3A_1154, %reduce_sum3A_1155 [1] : vector<104x512xf32> to vector<104xf32>
    %broadcast_in_dim3A_1157 = vector.shape_cast %reduce_sum3A_1156 : vector<104xf32> to vector<104x1xf32>
    %get3A_1158 = arith.constant 28 : index
    %get3A_1159 = arith.constant 0 : index
    %get3A_1160 = arith.constant 0 : index
    %get3A_1161 = vector.load %arg3[%get3A_1158, %get3A_1159, %get3A_1160] : memref<32x512x128xf32, #tpu.memory_space<vmem>>, vector<1x512x128xf32>
    %get3A_1162 = vector.shape_cast %get3A_1161 : vector<1x512x128xf32> to vector<512x128xf32>
    %dot_general3A_1163 = arith.constant dense<0.000000e+00> : vector<104x128xf32>
    %dot_general3A_1164 = tpu.matmul %mul3A_1154, %get3A_1162, %dot_general3A_1163 {dimension_numbers = #tpu.dot_dimension_numbers<[1], [0], [0], [1], [0, 0, 1, 1], [], []>, transpose_lhs_hint = false} : vector<104x512xf32>, vector<512x128xf32>, vector<104x128xf32> -> vector<104x128xf32>
    %slice3A_1165 = vector.extract_strided_slice %dot_general3A_1164 {offsets = [0, 0], sizes = [100, 128], strides = [1, 1]} : vector<104x128xf32> to vector<100x128xf32>
    %slice3A_1166 = vector.extract_strided_slice %broadcast_in_dim3A_1157 {offsets = [0, 0], sizes = [100, 1], strides = [1, 1]} : vector<104x1xf32> to vector<100x1xf32>
    %div3A_1167 = arith.constant 1.000000e+00 : f32
    %div3A_1168 = vector.broadcast %div3A_1167 : f32 to vector<100x1xf32>
    %div3A_1169 = arith.divf %div3A_1168, %slice3A_1166 : vector<100x1xf32>
    %mul3A_1170 = vector.broadcast %div3A_1169 : vector<100x1xf32> to vector<100x128xf32>
    %mul3A_1171 = arith.mulf %slice3A_1165, %mul3A_1170 : vector<100x128xf32>
    %swap3A_1172 = arith.constant 0 : index
    %swap3A_1173 = arith.constant 28 : index
    %swap3A_1174 = arith.constant 0 : index
    %swap3A_1175 = vector.load %arg4[%swap3A_1172, %swap3A_1173, %swap3A_1174] : memref<100x32x128xf32, #tpu.memory_space<vmem>>, vector<100x1x128xf32>
    %swap3A_1176 = vector.shape_cast %swap3A_1175 : vector<100x1x128xf32> to vector<100x128xf32>
    %swap3A_1177 = vector.shape_cast %mul3A_1171 : vector<100x128xf32> to vector<100x1x128xf32>
    tpu.vector_store %arg4[%swap3A_1172, %swap3A_1173, %swap3A_1174], %swap3A_1177 {strides = array<i32>} : memref<100x32x128xf32, #tpu.memory_space<vmem>>, vector<100x1x128xf32>,
    %get3A_1178 = arith.constant 29 : index
    %get3A_1179 = arith.constant 0 : index
    %get3A_1180 = arith.constant 0 : index
    %get3A_1181 = vector.load %arg2[%get3A_1178, %get3A_1179, %get3A_1180] : memref<32x1x512xf32, #tpu.memory_space<vmem>>, vector<1x1x512xf32>
    %get3A_1182 = vector.shape_cast %get3A_1181 : vector<1x1x512xf32> to vector<1x512xf32>
    %reduce_max3A_1183 = vector.shape_cast %get3A_1182 : vector<1x512xf32> to vector<1x1x512xf32>
    %reduce_max3A_1184 = arith.constant dense<0xFF800000> : vector<1xf32>
    %reduce_max3A_1185 = vector.multi_reduction <maximumf>, %reduce_max3A_1183, %reduce_max3A_1184 [1, 2] : vector<1x1x512xf32> to vector<1xf32>
    %reduce_max3A_1186 = vector.shape_cast %reduce_max3A_1185 : vector<1xf32> to vector<1x1x1xf32>
    %reduce_max3A_1187 = vector.extract %reduce_max3A_1186[0, 0, 0] : f32 from vector<1x1x1xf32>
    %sub3A_1188 = vector.broadcast %reduce_max3A_1187 : f32 to vector<1x512xf32>
    %sub3A_1189 = arith.subf %get3A_1182, %sub3A_1188 : vector<1x512xf32>
    %exp3A_1190 = math.exp %sub3A_1189 : vector<1x512xf32>
    %get3A_1191 = arith.constant 0 : index
    %get3A_1192 = arith.constant 0 : index
    %get3A_1193 = vector.load %arg1[%get3A_1191, %get3A_1192] : memref<104x512xf32, #tpu.memory_space<vmem>>, vector<104x512xf32>
    %mul3A_1194 = vector.broadcast %exp3A_1190 : vector<1x512xf32> to vector<104x512xf32>
    %mul3A_1195 = arith.mulf %get3A_1193, %mul3A_1194 : vector<104x512xf32>
    %reduce_sum3A_1196 = arith.constant dense<0.000000e+00> : vector<104xf32>
    %reduce_sum3A_1197 = vector.multi_reduction <add>, %mul3A_1195, %reduce_sum3A_1196 [1] : vector<104x512xf32> to vector<104xf32>
    %broadcast_in_dim3A_1198 = vector.shape_cast %reduce_sum3A_1197 : vector<104xf32> to vector<104x1xf32>
    %get3A_1199 = arith.constant 29 : index
    %get3A_1200 = arith.constant 0 : index
    %get3A_1201 = arith.constant 0 : index
    %get3A_1202 = vector.load %arg3[%get3A_1199, %get3A_1200, %get3A_1201] : memref<32x512x128xf32, #tpu.memory_space<vmem>>, vector<1x512x128xf32>
    %get3A_1203 = vector.shape_cast %get3A_1202 : vector<1x512x128xf32> to vector<512x128xf32>
    %dot_general3A_1204 = arith.constant dense<0.000000e+00> : vector<104x128xf32>
    %dot_general3A_1205 = tpu.matmul %mul3A_1195, %get3A_1203, %dot_general3A_1204 {dimension_numbers = #tpu.dot_dimension_numbers<[1], [0], [0], [1], [0, 0, 1, 1], [], []>, transpose_lhs_hint = false} : vector<104x512xf32>, vector<512x128xf32>, vector<104x128xf32> -> vector<104x128xf32>
    %slice3A_1206 = vector.extract_strided_slice %dot_general3A_1205 {offsets = [0, 0], sizes = [100, 128], strides = [1, 1]} : vector<104x128xf32> to vector<100x128xf32>
    %slice3A_1207 = vector.extract_strided_slice %broadcast_in_dim3A_1198 {offsets = [0, 0], sizes = [100, 1], strides = [1, 1]} : vector<104x1xf32> to vector<100x1xf32>
    %div3A_1208 = arith.constant 1.000000e+00 : f32
    %div3A_1209 = vector.broadcast %div3A_1208 : f32 to vector<100x1xf32>
    %div3A_1210 = arith.divf %div3A_1209, %slice3A_1207 : vector<100x1xf32>
    %mul3A_1211 = vector.broadcast %div3A_1210 : vector<100x1xf32> to vector<100x128xf32>
    %mul3A_1212 = arith.mulf %slice3A_1206, %mul3A_1211 : vector<100x128xf32>
    %swap3A_1213 = arith.constant 0 : index
    %swap3A_1214 = arith.constant 29 : index
    %swap3A_1215 = arith.constant 0 : index
    %swap3A_1216 = vector.load %arg4[%swap3A_1213, %swap3A_1214, %swap3A_1215] : memref<100x32x128xf32, #tpu.memory_space<vmem>>, vector<100x1x128xf32>
    %swap3A_1217 = vector.shape_cast %swap3A_1216 : vector<100x1x128xf32> to vector<100x128xf32>
    %swap3A_1218 = vector.shape_cast %mul3A_1212 : vector<100x128xf32> to vector<100x1x128xf32>
    tpu.vector_store %arg4[%swap3A_1213, %swap3A_1214, %swap3A_1215], %swap3A_1218 {strides = array<i32>} : memref<100x32x128xf32, #tpu.memory_space<vmem>>, vector<100x1x128xf32>,
    %get3A_1219 = arith.constant 30 : index
    %get3A_1220 = arith.constant 0 : index
    %get3A_1221 = arith.constant 0 : index
    %get3A_1222 = vector.load %arg2[%get3A_1219, %get3A_1220, %get3A_1221] : memref<32x1x512xf32, #tpu.memory_space<vmem>>, vector<1x1x512xf32>
    %get3A_1223 = vector.shape_cast %get3A_1222 : vector<1x1x512xf32> to vector<1x512xf32>
    %reduce_max3A_1224 = vector.shape_cast %get3A_1223 : vector<1x512xf32> to vector<1x1x512xf32>
    %reduce_max3A_1225 = arith.constant dense<0xFF800000> : vector<1xf32>
    %reduce_max3A_1226 = vector.multi_reduction <maximumf>, %reduce_max3A_1224, %reduce_max3A_1225 [1, 2] : vector<1x1x512xf32> to vector<1xf32>
    %reduce_max3A_1227 = vector.shape_cast %reduce_max3A_1226 : vector<1xf32> to vector<1x1x1xf32>
    %reduce_max3A_1228 = vector.extract %reduce_max3A_1227[0, 0, 0] : f32 from vector<1x1x1xf32>
    %sub3A_1229 = vector.broadcast %reduce_max3A_1228 : f32 to vector<1x512xf32>
    %sub3A_1230 = arith.subf %get3A_1223, %sub3A_1229 : vector<1x512xf32>
    %exp3A_1231 = math.exp %sub3A_1230 : vector<1x512xf32>
    %get3A_1232 = arith.constant 0 : index
    %get3A_1233 = arith.constant 0 : index
    %get3A_1234 = vector.load %arg1[%get3A_1232, %get3A_1233] : memref<104x512xf32, #tpu.memory_space<vmem>>, vector<104x512xf32>
    %mul3A_1235 = vector.broadcast %exp3A_1231 : vector<1x512xf32> to vector<104x512xf32>
    %mul3A_1236 = arith.mulf %get3A_1234, %mul3A_1235 : vector<104x512xf32>
    %reduce_sum3A_1237 = arith.constant dense<0.000000e+00> : vector<104xf32>
    %reduce_sum3A_1238 = vector.multi_reduction <add>, %mul3A_1236, %reduce_sum3A_1237 [1] : vector<104x512xf32> to vector<104xf32>
    %broadcast_in_dim3A_1239 = vector.shape_cast %reduce_sum3A_1238 : vector<104xf32> to vector<104x1xf32>
    %get3A_1240 = arith.constant 30 : index
    %get3A_1241 = arith.constant 0 : index
    %get3A_1242 = arith.constant 0 : index
    %get3A_1243 = vector.load %arg3[%get3A_1240, %get3A_1241, %get3A_1242] : memref<32x512x128xf32, #tpu.memory_space<vmem>>, vector<1x512x128xf32>
    %get3A_1244 = vector.shape_cast %get3A_1243 : vector<1x512x128xf32> to vector<512x128xf32>
    %dot_general3A_1245 = arith.constant dense<0.000000e+00> : vector<104x128xf32>
    %dot_general3A_1246 = tpu.matmul %mul3A_1236, %get3A_1244, %dot_general3A_1245 {dimension_numbers = #tpu.dot_dimension_numbers<[1], [0], [0], [1], [0, 0, 1, 1], [], []>, transpose_lhs_hint = false} : vector<104x512xf32>, vector<512x128xf32>, vector<104x128xf32> -> vector<104x128xf32>
    %slice3A_1247 = vector.extract_strided_slice %dot_general3A_1246 {offsets = [0, 0], sizes = [100, 128], strides = [1, 1]} : vector<104x128xf32> to vector<100x128xf32>
    %slice3A_1248 = vector.extract_strided_slice %broadcast_in_dim3A_1239 {offsets = [0, 0], sizes = [100, 1], strides = [1, 1]} : vector<104x1xf32> to vector<100x1xf32>
    %div3A_1249 = arith.constant 1.000000e+00 : f32
    %div3A_1250 = vector.broadcast %div3A_1249 : f32 to vector<100x1xf32>
    %div3A_1251 = arith.divf %div3A_1250, %slice3A_1248 : vector<100x1xf32>
    %mul3A_1252 = vector.broadcast %div3A_1251 : vector<100x1xf32> to vector<100x128xf32>
    %mul3A_1253 = arith.mulf %slice3A_1247, %mul3A_1252 : vector<100x128xf32>
    %swap3A_1254 = arith.constant 0 : index
    %swap3A_1255 = arith.constant 30 : index
    %swap3A_1256 = arith.constant 0 : index
    %swap3A_1257 = vector.load %arg4[%swap3A_1254, %swap3A_1255, %swap3A_1256] : memref<100x32x128xf32, #tpu.memory_space<vmem>>, vector<100x1x128xf32>
    %swap3A_1258 = vector.shape_cast %swap3A_1257 : vector<100x1x128xf32> to vector<100x128xf32>
    %swap3A_1259 = vector.shape_cast %mul3A_1253 : vector<100x128xf32> to vector<100x1x128xf32>
    tpu.vector_store %arg4[%swap3A_1254, %swap3A_1255, %swap3A_1256], %swap3A_1259 {strides = array<i32>} : memref<100x32x128xf32, #tpu.memory_space<vmem>>, vector<100x1x128xf32>,
    %get3A_1260 = arith.constant 31 : index
    %get3A_1261 = arith.constant 0 : index
    %get3A_1262 = arith.constant 0 : index
    %get3A_1263 = vector.load %arg2[%get3A_1260, %get3A_1261, %get3A_1262] : memref<32x1x512xf32, #tpu.memory_space<vmem>>, vector<1x1x512xf32>
    %get3A_1264 = vector.shape_cast %get3A_1263 : vector<1x1x512xf32> to vector<1x512xf32>
    %reduce_max3A_1265 = vector.shape_cast %get3A_1264 : vector<1x512xf32> to vector<1x1x512xf32>
    %reduce_max3A_1266 = arith.constant dense<0xFF800000> : vector<1xf32>
    %reduce_max3A_1267 = vector.multi_reduction <maximumf>, %reduce_max3A_1265, %reduce_max3A_1266 [1, 2] : vector<1x1x512xf32> to vector<1xf32>
    %reduce_max3A_1268 = vector.shape_cast %reduce_max3A_1267 : vector<1xf32> to vector<1x1x1xf32>
    %reduce_max3A_1269 = vector.extract %reduce_max3A_1268[0, 0, 0] : f32 from vector<1x1x1xf32>
    %sub3A_1270 = vector.broadcast %reduce_max3A_1269 : f32 to vector<1x512xf32>
    %sub3A_1271 = arith.subf %get3A_1264, %sub3A_1270 : vector<1x512xf32>
    %exp3A_1272 = math.exp %sub3A_1271 : vector<1x512xf32>
    %get3A_1273 = arith.constant 0 : index
    %get3A_1274 = arith.constant 0 : index
    %get3A_1275 = vector.load %arg1[%get3A_1273, %get3A_1274] : memref<104x512xf32, #tpu.memory_space<vmem>>, vector<104x512xf32>
    %mul3A_1276 = vector.broadcast %exp3A_1272 : vector<1x512xf32> to vector<104x512xf32>
    %mul3A_1277 = arith.mulf %get3A_1275, %mul3A_1276 : vector<104x512xf32>
    %reduce_sum3A_1278 = arith.constant dense<0.000000e+00> : vector<104xf32>
    %reduce_sum3A_1279 = vector.multi_reduction <add>, %mul3A_1277, %reduce_sum3A_1278 [1] : vector<104x512xf32> to vector<104xf32>
    %broadcast_in_dim3A_1280 = vector.shape_cast %reduce_sum3A_1279 : vector<104xf32> to vector<104x1xf32>
    %get3A_1281 = arith.constant 31 : index
    %get3A_1282 = arith.constant 0 : index
    %get3A_1283 = arith.constant 0 : index
    %get3A_1284 = vector.load %arg3[%get3A_1281, %get3A_1282, %get3A_1283] : memref<32x512x128xf32, #tpu.memory_space<vmem>>, vector<1x512x128xf32>
    %get3A_1285 = vector.shape_cast %get3A_1284 : vector<1x512x128xf32> to vector<512x128xf32>
    %dot_general3A_1286 = arith.constant dense<0.000000e+00> : vector<104x128xf32>
    %dot_general3A_1287 = tpu.matmul %mul3A_1277, %get3A_1285, %dot_general3A_1286 {dimension_numbers = #tpu.dot_dimension_numbers<[1], [0], [0], [1], [0, 0, 1, 1], [], []>, transpose_lhs_hint = false} : vector<104x512xf32>, vector<512x128xf32>, vector<104x128xf32> -> vector<104x128xf32>
    %slice3A_1288 = vector.extract_strided_slice %dot_general3A_1287 {offsets = [0, 0], sizes = [100, 128], strides = [1, 1]} : vector<104x128xf32> to vector<100x128xf32>
    %slice3A_1289 = vector.extract_strided_slice %broadcast_in_dim3A_1280 {offsets = [0, 0], sizes = [100, 1], strides = [1, 1]} : vector<104x1xf32> to vector<100x1xf32>
    %div3A_1290 = arith.constant 1.000000e+00 : f32
    %div3A_1291 = vector.broadcast %div3A_1290 : f32 to vector<100x1xf32>
    %div3A_1292 = arith.divf %div3A_1291, %slice3A_1289 : vector<100x1xf32>
    %mul3A_1293 = vector.broadcast %div3A_1292 : vector<100x1xf32> to vector<100x128xf32>
    %mul3A_1294 = arith.mulf %slice3A_1288, %mul3A_1293 : vector<100x128xf32>
    %swap3A_1295 = arith.constant 0 : index
    %swap3A_1296 = arith.constant 31 : index
    %swap3A_1297 = arith.constant 0 : index
    %swap3A_1298 = vector.load %arg4[%swap3A_1295, %swap3A_1296, %swap3A_1297] : memref<100x32x128xf32, #tpu.memory_space<vmem>>, vector<100x1x128xf32>
    %swap3A_1299 = vector.shape_cast %swap3A_1298 : vector<100x1x128xf32> to vector<100x128xf32>
    %swap3A_1300 = vector.shape_cast %mul3A_1294 : vector<100x128xf32> to vector<100x1x128xf32>
    tpu.vector_store %arg4[%swap3A_1295, %swap3A_1296, %swap3A_1297], %swap3A_1300 {strides = array<i32>} : memref<100x32x128xf32, #tpu.memory_space<vmem>>, vector<100x1x128xf32>,
    return
  }
  func.func @transform_0(%arg0: i32) -> (i32, i32) {
    %c0_i32 = arith.constant 0 : i32
    %c0_i32_0 = arith.constant 0 : i32
    %c0_i32_1 = arith.constant 0 : i32
    return %c0_i32, %c0_i32_0 : i32, i32
  }
  func.func @transform_1(%arg0: i32) -> (i32, i32, i32) {
    %c0_i32 = arith.constant 0 : i32
    %c0_i32_0 = arith.constant 0 : i32
    %c0_i32_1 = arith.constant 0 : i32
    return %arg0, %c0_i32, %c0_i32_0 : i32, i32, i32
  }
  func.func @transform_2(%arg0: i32) -> (i32, i32, i32) {
    %c0_i32 = arith.constant 0 : i32
    %c0_i32_0 = arith.constant 0 : i32
    %c0_i32_1 = arith.constant 0 : i32
    return %arg0, %c0_i32, %c0_i32_0 : i32, i32, i32
  }
  func.func @transform_3(%arg0: i32) -> (i32, i32, i32) {
    %c0_i32 = arith.constant 0 : i32
    %c0_i32_0 = arith.constant 0 : i32
    %c0_i32_1 = arith.constant 0 : i32
    return %c0_i32, %arg0, %c0_i32_0 : i32, i32, i32
  }
}

</mosaic_0001>

<sc_bundles>
// kernel: kernel.4.cloned.1.call-start
scs
__scs_entry_jumppad:
0x0: {  	(pc) =	sbr.rel $0x88, $3  }
0x1: {  	(tag) =	ssettag $0x0;
	lr =	simm.s32 $0x1  }
0x2: {  	[smem:$0x3F9E] =	sst lr;
	_ =	strace $0xD0000000  }
0x3: {  	_ = 	snop  }
0x4: {  	_ = 	snop  }
0x5: {  	_ = 	snop  }
0x6: {  	_ = 	snop  }
0x7: {  	_ = 	snop  }
__scs_overlays_trampoline_lowered:
0x8: {  	[smem:$0x3FAD] =	sst s0  }
0x9: {  	[smem:$0x3FAE] =	sst s1  }
0xa: {  	[smem:$0x3FAF] =	sst s2  }
0xb: {  	[smem:$0x3FB0] =	sst s3  }
0xc: {  	[smem:$0x3FB1] =	sst s4  }
0xd: {  	[smem:$0x3FB2] =	sst s5  }
0xe: {  	[smem:$0x3FB3] =	sst s6  }
0xf: {  	[smem:$0x3FB4] =	sst s7  }
0x10: {  	[smem:$0x3FB5] =	sst s8  }
0x11: {  	[smem:$0x3FB6] =	sst s9;
	s0 =	simm.s32 @!p0 $0x0  }
0x12: {  	s1 =	sld [smem:$0x3F9C];
	s0 =	simm.s32 @p0 $0x1  }
0x13: {  	[smem:$0x3FB7] =	sst s0;
	s0 =	simm.s32 @!p1 $0x0  }
0x14: {  	s2 =	sld [smem:$0x3F9B];
	s0 =	simm.s32 @p1 $0x1  }
0x15: {  	[smem:$0x3FB8] =	sst s0;
	s0 =	simm.s32 @!p2 $0x0  }
0x16: {  	s3 =	sld [smem:$0x3FDB];
	s0 =	simm.s32 @p2 $0x1  }
0x17: {  	s4 =	simm.s32 $0x1BF5;
	[smem:$0x3FBA] =	sst s0  }
0x18: {  	s0 =	sld [smem:$0x3F9D];
	_ =	swait.ge [sflag:s4], $0x0  }
0x19: {  	s7 =	sld [smem:$0x3F9E]  }
0x1a: {  	s8 =	sadd.s32 $0xFFFFE003, lr  }
0x1b: {  	s9 =	sadd.s32 $0xFFFFFEF7, lr;
	s5 =	simm.s32 $0xFFFFFFFF;
	p2 =	slt.u32 s8, $0xFFFFF086  }
0x1c: {  	p1 =	slt.u32 s9, $0xF7A;
	s5 =	simm.s32 @!p2 $0x0  }
0x1d: {  	s5 =	simm.s32 @p1 $0x1;
	p0 =	seq.s32 s7, s2  }
0x1e: {  	s7 =	smul.u32 @!p0 $0xF7A, s2;
	p2 =	seq.s32 @!p0 s5, $0x0  }
0x1f: {  	s9 =	smul.u32 $0xF7A, s1;
	s8 =	simm.s32 @!p0 $0x1BF5;
	p2 =	por !p2, p0  }
0x20: {  	[sflag:s8] =	ssyncset.s32 @!p0 $0xFFFFF086;
	s6 =	sadd.s32 @!p0 s3, s7;
	s7 =	simm.s32 @!p0 $0x108  }
0x21: {  	s3 =	sadd.s32 s3, s9;
	s6 =	sadd.s32 @!p0 $0x88, s6;
	s7 =	simm.s32 @p2 $0x1082  }
0x22: {  	[simem:s7], [sflag:s8] =	dma.local @!p0 [hbm:s6], $0xF7A  }
0x23: {  	s9 =	sor.u32 $0xD0000000, s2;
	s6 =	simm.s32 $0x108;
	_ =	swait.ge @!p0 [sflag:s8], $0x0  }
0x24: {  	s3 =	sadd.s32 $0x88, s3;
	s6 =	simm.s32 @!p1 $0x1082;
	[sflag:s4] =	ssyncset.s32 $0xFFFFF086  }
0x25: {  	[simem:s6], [sflag:s4] =	dma.local [hbm:s3], $0xF7A  }
0x26: {  	[smem:$0x3F9E] =	sst s1;
	(tag) =	ssettag s2;
	_ =	strace s9  }
0x27: {  	s1 =	sld [smem:$0x3FAE]  }
0x28: {  	s2 =	sld [smem:$0x3FAF]  }
0x29: {  	s4 =	sld [smem:$0x3FB1]  }
0x2a: {  	p0 =	seq.s32 s5, $0x0;
	s5 =	sld [smem:$0x3FB2]  }
0x2b: {  	s6 =	sld [smem:$0x3FB3]  }
0x2c: {  	s7 =	sld [smem:$0x3FB4]  }
0x2d: {  	s3 =	simm.s32 $0x108;
	s8 =	sld [smem:$0x3FB5]  }
0x2e: {  	s3 =	simm.s32 @!p0 $0x1082;
	s9 =	sld [smem:$0x3FB6]  }
0x2f: {  	lr =	sadd.s32 s0, s3;
	s0 =	sld [smem:$0x3FAD]  }
0x30: {  	s3 =	sld [smem:$0x3FB0]  }
0x31: {  	[smem:$0x3FB9] =	sst s10  }
0x32: {  	s10 =	sld [smem:$0x3FB7];
	_ =	sdelay $0x3  }
0x33: {  	p0 =	seq.s32 s10, $0x1;
	s10 =	sld [smem:$0x3FB9];
	_ =	sdelay $0x3  }
0x34: {  	[smem:$0x3FB9] =	sst s10  }
0x35: {  	s10 =	sld [smem:$0x3FB8];
	_ =	sdelay $0x3  }
0x36: {  	p1 =	seq.s32 s10, $0x1;
	s10 =	sld [smem:$0x3FB9];
	_ =	sdelay $0x3  }
0x37: {  	[smem:$0x3FB9] =	sst s10  }
0x38: {  	s10 =	sld [smem:$0x3FBA]  }
0x39: {  	_ = 	snop;
	(pc) =	sbr.ind lr, $3  }
0x3a: {  	_ = 	snop  }
0x3b: {  	_ = 	snop  }
0x3c: {  	p2 =	seq.s32 s10, $0x1;
	s10 =	sld [smem:$0x3FB9]  }
0x3d: {  	_ =	shalt  }
0x3e: {  	_ =	shalt  }
0x3f: {  	_ =	shalt  }
0x40: {  	_ =	shalt  }
0x41: {  	_ =	shalt  }
0x42: {  	_ =	shalt  }
0x43: {  	_ =	shalt  }
0x44: {  	_ =	shalt  }
0x45: {  	_ =	shalt  }
0x46: {  	_ =	shalt  }
0x47: {  	_ =	shalt  }
0x48: {  	_ =	shalt  }
0x49: {  	_ =	shalt  }
0x4a: {  	_ =	shalt  }
0x4b: {  	_ =	shalt  }
0x4c: {  	_ =	shalt  }
0x4d: {  	_ =	shalt  }
0x4e: {  	_ =	shalt  }
0x4f: {  	_ =	shalt  }
0x50: {  	_ =	shalt  }
0x51: {  	_ =	shalt  }
0x52: {  	_ =	shalt  }
0x53: {  	_ =	shalt  }
0x54: {  	_ =	shalt  }
0x55: {  	_ =	shalt  }
0x56: {  	_ =	shalt  }
0x57: {  	_ =	shalt  }
0x58: {  	_ =	shalt  }
0x59: {  	_ =	shalt  }
0x5a: {  	_ =	shalt  }
0x5b: {  	_ =	shalt  }
0x5c: {  	_ =	shalt  }
0x5d: {  	_ =	shalt  }
0x5e: {  	_ =	shalt  }
0x5f: {  	_ =	shalt  }
0x60: {  	_ =	shalt  }
0x61: {  	_ =	shalt  }
0x62: {  	_ =	shalt  }
0x63: {  	_ =	shalt  }
0x64: {  	_ =	shalt  }
0x65: {  	_ =	shalt  }
0x66: {  	_ =	shalt  }
0x67: {  	_ =	shalt  }
0x68: {  	_ =	shalt  }
0x69: {  	_ =	shalt  }
0x6a: {  	_ =	shalt  }
0x6b: {  	_ =	shalt  }
0x6c: {  	_ =	shalt  }
0x6d: {  	_ =	shalt  }
0x6e: {  	_ =	shalt  }
0x6f: {  	_ =	shalt  }
0x70: {  	_ =	shalt  }
0x71: {  	_ =	shalt  }
0x72: {  	_ =	shalt  }
0x73: {  	_ =	shalt  }
0x74: {  	_ =	shalt  }
0x75: {  	_ =	shalt  }
0x76: {  	_ =	shalt  }
0x77: {  	_ =	shalt  }
0x78: {  	_ =	shalt  }
0x79: {  	_ =	shalt  }
0x7a: {  	_ =	shalt  }
0x7b: {  	_ =	shalt  }
0x7c: {  	_ =	shalt  }
0x7d: {  	_ =	shalt  }
0x7e: {  	_ =	shalt  }
0x7f: {  	_ =	shalt  }
0x80: {  	_ =	shalt  }
0x81: {  	_ =	shalt  }
0x82: {  	_ =	shalt  }
0x83: {  	_ =	shalt  }
0x84: {  	_ =	shalt  }
0x85: {  	_ =	shalt  }
0x86: {  	_ =	shalt  }
0x87: {  	_ =	shalt  }
.Lfunc_end0:
.L_simem_size_0:
called_computation_lowered:
.L_overlay_start_0:
0x88: {  	s2 =	sld [smem:$0x3FD9]  }
0x89: {  	s3 =	sld [smem:$0x3FFE];
	_ =	sdelay $0x1  }
0x8a: {  	s1 =	srdreg.scid  }
0x8b: {  	s0 =	sand.u32 $0x1, s1  }
0x8c: {  	s17 =	sshll.u32 s0, $0xA;
	s2 =	sadd.s32 s3, s2  }
0x8d: {  	s2 =	sadd.s32 s2, s17  }
0x8e: {  	[smem:$0x3FC5] =	sst s2  }
0x8f: {  	_ = 	snop  }
0x90: {  	s2 =	sld [smem:$0x3FD0];
	(tm) =	ssettm $0x1  }
0x91: {  	s18 =	sld [smem:$0x3FFB];
	_ =	sdelay $0x3  }
0x92: {  	_ =	strace s18  }
0x93: {  	s3 =	sld [smem:$0x3FFC];
	_ =	sdelay $0x3  }
0x94: {  	_ =	strace s3  }
0x95: {  	s3 =	sld [smem:$0x3FFD];
	_ =	sdelay $0x3  }
0x96: {  	_ =	strace s3  }
0x97: {  	_ =	strace $0x8FFFFFFF  }
0x98: {  	s19 =	sld [smem:$0x3FDB];
	_ =	sdelay $0x1  }
0x99: {  	s4 =	simm.s32 $_scs_section_size  }
0x9a: {  	s5 =	simm.s32 $_size__tile_overlayer_lowered;
	s6 =	simm.s32 $_tile_overlayer_lowered  }
0x9b: {  	s22 =	simm.s32 $0x1BFF;
	s21 =	sshll.u32 s6, $0x1;
	s3 =	sadd.s32 s4, s19  }
0x9c: {  	s7 =	simm.s32 $0x0;
	s20 =	sshll.u32 s5, $0x1;
	s5 =	sadd.s32 s21, s3  }
0x9d: {  	[timem:s7], [sflag:s22] =	dma.local [hbm:s5], s20  }
0x9e: {  	_ =	swait.ge [sflag:s22], s20  }
0x9f: {  	s4 =	ssub.s32 $0x0, s20;
	[sflag:s22] =	ssyncset.done $0x0  }
0xa0: {  	[sflag:s22] =	ssyncadd.s32 s4;
	_ =	sdelay $0x1  }
0xa1: {  	s23 =	simm.s32 $0x1B8B  }
0xa2: {  	_ =	swait.ge [sflag:s23], $0x1  }
0xa3: {  	[sflag:s23] =	ssyncset.done $0x0  }
0xa4: {  	s25 =	simm.s32 $0x1B8E;
	s24 =	sld [smem:$0x3FFE];
	[sflag:s23] =	ssyncadd.s32 $0xFFFFFFFF  }
0xa5: {  	s26 =	simm.s32 $execute0_lowered;
	[smem:$0x3FD2] =	sst s25  }
0xa6: {  	s5 =	sshll.u32 s26, $0x1;
	_ =	strace $0x80000046;
	[dreg:$0x1] =	wrdreg $0xFFFFFFFF  }
0xa7: {  	s28 =	simm.s32 $_size_execute0_lowered;
	s3 =	sadd.s32 s3, s5;
	[dreg:$0x0] =	wrdreg $0x0  }
0xa8: {  	s5 =	sshll.u32 s28, $0x1;
	[dreg:$0x2] =	wrdreg s3  }
0xa9: {  	[dreg:$0x3] =	wrdreg s5  }
0xaa: {  	[dreg:$0x4] =	wrdreg $0xC0  }
0xab: {  	_ =	task [dreg:s7], $0x5FFFF  }
0xac: {  	[dreg:$0x1] =	wrdreg $0xFFFFFFFF  }
0xad: {  	[dreg:$0x0] =	wrdreg $0x60  }
0xae: {  	[dreg:$0x2] =	wrdreg s24  }
0xaf: {  	[dreg:$0x3] =	wrdreg s2  }
0xb0: {  	[dreg:$0x4] =	wrdreg $0x9  }
0xb1: {  	_ =	task.clear_ibuf [dreg:s7], $0x5FFFF;
	_ =	strace $0x90000046  }
0xb2: {  	s29 =	simm.s32 $0x9;
	_ =	strace $0x80000048  }
0xb3: {  	_ =	swait.ge [sflag:s29], $0x1  }
0xb4: {  	[sflag:s29] =	ssyncadd.s32 $0xFFFFFFFF  }
0xb5: {  	_ =	strace $0x90000048  }
0xb6: {  	_ =	sfence  }
0xb7: {  	s30 =	sld [smem:$0x0];
	_ =	sdelay $0x2  }
0xb8: {  	s31 =	sshll.u32 s1, $0xD;
	s1 =	sshrl.u32 s1, $0x2  }
0xb9: {  	s3 =	sand.u32 $0x4000, s31;
	s1 =	sadd.s32 s1, s30  }
0xba: {  	s0 =	sor.u32 s3, s0;
	s1 =	sshll.u32 s1, $0x11  }
0xbb: {  	s0 =	sor.u32 s1, s0  }
0xbc: {  	s0 =	sadd.s32 $0x8F2B, s0  }
0xbd: {  	[sflag:s0] =	ssyncadd.remote.s32 $0x1  }
0xbe: {  	_ =	sfence.sel $0xFFFF  }
0xbf: {  	[dreg:$0x0] =	wrdreg $0xFFFFFFFF;
	(pc) =	sbr.abs _section_cstart, $3  }
0xc0: {  	[dreg:$0x1] =	wrdreg $0xFFFFFFFF  }
0xc1: {  	_ =	task.clear_ibuf [dreg:s7], $0x2FFFF;
	_ =	strace $0x9FFFFFFF  }
0xc2: {  	(tm) =	ssettm $0x7FFFFFFF  }
0xc3: {  	_ =	shalt  }
tec
execute0_lowered:
.L_overlay_start_1:
0x0: {  	(tag) =	ssettag $0x1  }
0x1: {  	s1 =	srdreg.scid;
	s2 =	rddreg [dreg:$0x0]  }
0x2: {  	s0 =	stileid.u32;
	s4 =	rddreg [dreg:$0x1]  }
0x3: {  	s28 =	simm.s32 $0x0;
	s1 =	sand.u32 $0x1, s1;
	s3 =	sshll.u32 s0, $0x1  }
0x4: {  	[smem:$0x7FF] =	sst s28;
	p1 =	sgt.u32 s0, $0xC;
	s5 =	sor.u32 s1, s3  }
0x5: {  	s7 =	ssub.s32 $0x2, s1;
	s1 =	rddreg [dreg:$0x2];
	_ =	strace $0x80000047  }
0x6: {  	s6 =	sshll.u32 s5, $0x5;
	s29 =	sshrl.u32 s7, $0x1;
	s31 =	sshll.u32 s5, $0x8  }
0x7: {  	p0 =	sgt.u32 s5, $0x18;
	s2 =	sadd.s32 s6, s2;
	s30 =	ssub.s32 s7, s29  }
0x8: {  	v0 =	vimm.f32 $0.0e+00;
	s3 =	sadd.s32 s4, s31;
	s2 =	sadd.s32 $0x600, s2;
	s4 =	smax.u32 s30, $0x1  }
.LBB2_1:
0x9: {  	[tilespmem:$0x100] =	vst v0  }
0xa: {  	[tilespmem:$0x110] =	vst v0  }
0xb: {  	[tilespmem:$0x120] =	vst v0  }
0xc: {  	[tilespmem:$0x130] =	vst v0  }
0xd: {  	[tilespmem:$0x140] =	vst v0  }
0xe: {  	[tilespmem:$0x150] =	vst v0  }
0xf: {  	[tilespmem:$0x160] =	vst v0  }
0x10: {  	[tilespmem:$0x170] =	vst v0  }
0x11: {  	[tilespmem:$0x180] =	vst v0  }
0x12: {  	[tilespmem:$0x190] =	vst v0  }
0x13: {  	[tilespmem:$0x1A0] =	vst v0  }
0x14: {  	[tilespmem:$0x1B0] =	vst v0  }
0x15: {  	[tilespmem:$0x1C0] =	vst v0  }
0x16: {  	[tilespmem:$0x1D0] =	vst v0  }
0x17: {  	[tilespmem:$0x1E0] =	vst v0  }
0x18: {  	[tilespmem:$0x1F0] =	vst v0  }
0x19: {  	[tilespmem:$0x200] =	vst v0  }
0x1a: {  	[tilespmem:$0x210] =	vst v0  }
0x1b: {  	[tilespmem:$0x220] =	vst v0  }
0x1c: {  	[tilespmem:$0x230] =	vst v0  }
0x1d: {  	[tilespmem:$0x240] =	vst v0  }
0x1e: {  	[tilespmem:$0x250] =	vst v0  }
0x1f: {  	[tilespmem:$0x260] =	vst v0  }
0x20: {  	[tilespmem:$0x270] =	vst v0  }
0x21: {  	[tilespmem:$0x280] =	vst v0  }
0x22: {  	[tilespmem:$0x290] =	vst v0  }
0x23: {  	[tilespmem:$0x2A0] =	vst v0  }
0x24: {  	[tilespmem:$0x2B0] =	vst v0  }
0x25: {  	[tilespmem:$0x2C0] =	vst v0  }
0x26: {  	[tilespmem:$0x2D0] =	vst v0  }
0x27: {  	[tilespmem:$0x2E0] =	vst v0  }
0x28: {  	[tilespmem:$0x2F0] =	vst v0  }
0x29: {  	[tilespmem:$0x300] =	vst v0  }
0x2a: {  	[tilespmem:$0x310] =	vst v0  }
0x2b: {  	[tilespmem:$0x320] =	vst v0  }
0x2c: {  	[tilespmem:$0x330] =	vst v0  }
0x2d: {  	[tilespmem:$0x340] =	vst v0  }
0x2e: {  	[tilespmem:$0x350] =	vst v0  }
0x2f: {  	[tilespmem:$0x360] =	vst v0  }
0x30: {  	[tilespmem:$0x370] =	vst v0  }
0x31: {  	[tilespmem:$0x380] =	vst v0  }
0x32: {  	[tilespmem:$0x390] =	vst v0  }
0x33: {  	[tilespmem:$0x3A0] =	vst v0  }
0x34: {  	[tilespmem:$0x3B0] =	vst v0  }
0x35: {  	[tilespmem:$0x3C0] =	vst v0  }
0x36: {  	[tilespmem:$0x3D0] =	vst v0  }
0x37: {  	[tilespmem:$0x3E0] =	vst v0  }
0x38: {  	[tilespmem:$0x3F0] =	vst v0  }
0x39: {  	[tilespmem:$0x400] =	vst v0  }
0x3a: {  	[tilespmem:$0x410] =	vst v0  }
0x3b: {  	[tilespmem:$0x420] =	vst v0  }
0x3c: {  	[tilespmem:$0x430] =	vst v0  }
0x3d: {  	[tilespmem:$0x440] =	vst v0  }
0x3e: {  	[tilespmem:$0x450] =	vst v0  }
0x3f: {  	[tilespmem:$0x460] =	vst v0  }
0x40: {  	[tilespmem:$0x470] =	vst v0  }
0x41: {  	[tilespmem:$0x480] =	vst v0  }
0x42: {  	[tilespmem:$0x490] =	vst v0  }
0x43: {  	[tilespmem:$0x4A0] =	vst v0  }
0x44: {  	[tilespmem:$0x4B0] =	vst v0  }
0x45: {  	[tilespmem:$0x4C0] =	vst v0  }
0x46: {  	[tilespmem:$0x4D0] =	vst v0  }
0x47: {  	[tilespmem:$0x4E0] =	vst v0  }
0x48: {  	[tilespmem:$0x4F0] =	vst v0  }
0x49: {  	[tilespmem:$0x500] =	vst v0  }
0x4a: {  	[tilespmem:$0x510] =	vst v0  }
0x4b: {  	[tilespmem:$0x520] =	vst v0  }
0x4c: {  	[tilespmem:$0x530] =	vst v0  }
0x4d: {  	[tilespmem:$0x540] =	vst v0  }
0x4e: {  	[tilespmem:$0x550] =	vst v0  }
0x4f: {  	[tilespmem:$0x560] =	vst v0  }
0x50: {  	[tilespmem:$0x570] =	vst v0  }
0x51: {  	[tilespmem:$0x580] =	vst v0  }
0x52: {  	[tilespmem:$0x590] =	vst v0  }
0x53: {  	[tilespmem:$0x5A0] =	vst v0  }
0x54: {  	[tilespmem:$0x5B0] =	vst v0  }
0x55: {  	[tilespmem:$0x5C0] =	vst v0  }
0x56: {  	[tilespmem:$0x5D0] =	vst v0  }
0x57: {  	[tilespmem:$0x5E0] =	vst v0  }
0x58: {  	[tilespmem:$0x5F0] =	vst v0  }
0x59: {  	[tilespmem:$0x600] =	vst v0  }
0x5a: {  	[tilespmem:$0x610] =	vst v0  }
0x5b: {  	[tilespmem:$0x620] =	vst v0  }
0x5c: {  	[tilespmem:$0x630] =	vst v0  }
0x5d: {  	[tilespmem:$0x640] =	vst v0  }
0x5e: {  	[tilespmem:$0x650] =	vst v0  }
0x5f: {  	[tilespmem:$0x660] =	vst v0  }
0x60: {  	[tilespmem:$0x670] =	vst v0  }
0x61: {  	[tilespmem:$0x680] =	vst v0  }
0x62: {  	[tilespmem:$0x690] =	vst v0  }
0x63: {  	[tilespmem:$0x6A0] =	vst v0  }
0x64: {  	[tilespmem:$0x6B0] =	vst v0  }
0x65: {  	[tilespmem:$0x6C0] =	vst v0  }
0x66: {  	[tilespmem:$0x6D0] =	vst v0  }
0x67: {  	[tilespmem:$0x6E0] =	vst v0  }
0x68: {  	[tilespmem:$0x6F0] =	vst v0  }
0x69: {  	[tilespmem:$0x700] =	vst v0  }
0x6a: {  	[tilespmem:$0x710] =	vst v0  }
0x6b: {  	[tilespmem:$0x720] =	vst v0  }
0x6c: {  	[tilespmem:$0x730] =	vst v0  }
0x6d: {  	[tilespmem:$0x740] =	vst v0  }
0x6e: {  	[tilespmem:$0x750] =	vst v0  }
0x6f: {  	[tilespmem:$0x760] =	vst v0  }
0x70: {  	[tilespmem:$0x770] =	vst v0  }
0x71: {  	[tilespmem:$0x780] =	vst v0  }
0x72: {  	[tilespmem:$0x790] =	vst v0  }
0x73: {  	[tilespmem:$0x7A0] =	vst v0  }
0x74: {  	[tilespmem:$0x7B0] =	vst v0  }
0x75: {  	[tilespmem:$0x7C0] =	vst v0  }
0x76: {  	[tilespmem:$0x7D0] =	vst v0  }
0x77: {  	[tilespmem:$0x7E0] =	vst v0  }
0x78: {  	[tilespmem:$0x7F0] =	vst v0  }
0x79: {  	[tilespmem:$0x800] =	vst v0  }
0x7a: {  	[tilespmem:$0x810] =	vst v0  }
0x7b: {  	[tilespmem:$0x820] =	vst v0  }
0x7c: {  	[tilespmem:$0x830] =	vst v0  }
0x7d: {  	[tilespmem:$0x840] =	vst v0  }
0x7e: {  	[tilespmem:$0x850] =	vst v0  }
0x7f: {  	[tilespmem:$0x860] =	vst v0  }
0x80: {  	[tilespmem:$0x870] =	vst v0  }
0x81: {  	[tilespmem:$0x880] =	vst v0  }
0x82: {  	[tilespmem:$0x890] =	vst v0  }
0x83: {  	[tilespmem:$0x8A0] =	vst v0  }
0x84: {  	[tilespmem:$0x8B0] =	vst v0  }
0x85: {  	[tilespmem:$0x8C0] =	vst v0  }
0x86: {  	[tilespmem:$0x8D0] =	vst v0  }
0x87: {  	[tilespmem:$0x8E0] =	vst v0  }
0x88: {  	[tilespmem:$0x8F0] =	vst v0;
	s5 =	simm.s32 @!p0 $0x0  }
0x89: {  	[tilespmem:s5], [sflag:$0x1] =	stream.linear.gather @!p0 [hbm4b:s2+s5], $0x100, $0x38;
	[tilespmem:$0x900] =	vst v63  }
0x8a: {  	s5 =	simm.s32 @!p0 $0x1  }
0x8b: {  	_ =	swait.ge @!p0 [sflag:s5], $0x100  }
0x8c: {  	[sflag:s5] =	ssyncset.done @!p0 $0x0  }
0x8d: {  	[sflag:s5] =	ssyncadd.s32 @!p0 $0xFFFFFF00  }
0x8e: {  	v1 =	vld @!p0 [tilespmem:$0x0];
	_ =	sdelay $0x6  }
0x8f: {  	v2 =	vimm.f32 @!p0 $1.000000000e+00;
	s5 =	simm.s32 @!p0 $0x100  }
0x90: {  	[tilespmem:v1+s5+$0x0] =	vst.idx.msk @!p0 $0xffff, v2  }
0x91: {  	v1 =	vld @!p0 [tilespmem:$0x10];
	_ =	sdelay $0x7  }
0x92: {  	[tilespmem:v1+s5+$0x0] =	vst.idx.msk @!p0 $0xffff, v2  }
0x93: {  	v1 =	vld @!p0 [tilespmem:$0x20];
	_ =	sdelay $0x7  }
0x94: {  	[tilespmem:v1+s5+$0x0] =	vst.idx.msk @!p0 $0xffff, v2  }
0x95: {  	v1 =	vld @!p0 [tilespmem:$0x30];
	_ =	sdelay $0x7  }
0x96: {  	[tilespmem:v1+s5+$0x0] =	vst.idx.msk @!p0 $0xffff, v2  }
0x97: {  	v1 =	vld @!p0 [tilespmem:$0x40];
	_ =	sdelay $0x4  }
0x98: {  	v1 =	vadd.s32 @!p0 $0x200, v1;
	_ =	sdelay $0x4  }
0x99: {  	[tilespmem:v1+s5+$0x0] =	vst.idx.msk @!p0 $0xffff, v2  }
0x9a: {  	v1 =	vld @!p0 [tilespmem:$0x50];
	_ =	sdelay $0x4  }
0x9b: {  	v1 =	vadd.s32 @!p0 $0x200, v1;
	_ =	sdelay $0x4  }
0x9c: {  	[tilespmem:v1+s5+$0x0] =	vst.idx.msk @!p0 $0xffff, v2  }
0x9d: {  	v1 =	vld @!p0 [tilespmem:$0x60];
	_ =	sdelay $0x4  }
0x9e: {  	v1 =	vadd.s32 @!p0 $0x200, v1;
	_ =	sdelay $0x4  }
0x9f: {  	[tilespmem:v1+s5+$0x0] =	vst.idx.msk @!p0 $0xffff, v2  }
0xa0: {  	v1 =	vld @!p0 [tilespmem:$0x70];
	_ =	sdelay $0x4  }
0xa1: {  	v1 =	vadd.s32 @!p0 $0x200, v1;
	_ =	sdelay $0x4  }
0xa2: {  	[tilespmem:v1+s5+$0x0] =	vst.idx.msk @!p0 $0xffff, v2  }
0xa3: {  	v1 =	vld @!p0 [tilespmem:$0x80];
	_ =	sdelay $0x4  }
0xa4: {  	v1 =	vadd.s32 @!p0 $0x400, v1;
	_ =	sdelay $0x4  }
0xa5: {  	[tilespmem:v1+s5+$0x0] =	vst.idx.msk @!p0 $0xffff, v2  }
0xa6: {  	v1 =	vld @!p0 [tilespmem:$0x90];
	_ =	sdelay $0x4  }
0xa7: {  	v1 =	vadd.s32 @!p0 $0x400, v1;
	_ =	sdelay $0x4  }
0xa8: {  	[tilespmem:v1+s5+$0x0] =	vst.idx.msk @!p0 $0xffff, v2  }
0xa9: {  	v1 =	vld @!p0 [tilespmem:$0xA0];
	_ =	sdelay $0x4  }
0xaa: {  	v1 =	vadd.s32 @!p0 $0x400, v1;
	_ =	sdelay $0x4  }
0xab: {  	[tilespmem:v1+s5+$0x0] =	vst.idx.msk @!p0 $0xffff, v2  }
0xac: {  	v1 =	vld @!p0 [tilespmem:$0xB0];
	_ =	sdelay $0x4  }
0xad: {  	v1 =	vadd.s32 @!p0 $0x400, v1;
	_ =	sdelay $0x4  }
0xae: {  	[tilespmem:v1+s5+$0x0] =	vst.idx.msk @!p0 $0xffff, v2  }
0xaf: {  	v1 =	vld @!p0 [tilespmem:$0xC0];
	_ =	sdelay $0x4  }
0xb0: {  	v1 =	vadd.s32 @!p0 $0x600, v1;
	_ =	sdelay $0x4  }
0xb1: {  	[tilespmem:v1+s5+$0x0] =	vst.idx.msk @!p0 $0xffff, v2  }
0xb2: {  	v1 =	vld @!p0 [tilespmem:$0xD0];
	_ =	sdelay $0x4  }
0xb3: {  	v1 =	vadd.s32 @!p0 $0x600, v1;
	_ =	sdelay $0x4  }
0xb4: {  	[tilespmem:v1+s5+$0x0] =	vst.idx.msk @!p0 $0xffff, v2  }
0xb5: {  	v1 =	vld @!p0 [tilespmem:$0xE0];
	_ =	sdelay $0x4  }
0xb6: {  	v1 =	vadd.s32 @!p0 $0x600, v1;
	_ =	sdelay $0x4  }
0xb7: {  	[tilespmem:v1+s5+$0x0] =	vst.idx.msk @!p0 $0xffff, v2  }
0xb8: {  	v1 =	vld @!p0 [tilespmem:$0xF0];
	_ =	sdelay $0x4  }
0xb9: {  	v1 =	vadd.s32 @!p0 $0x600, v1;
	_ =	sdelay $0x3  }
0xba: {  	s4 =	sadd.s32 $0xFFFFFFFF, s4  }
0xbb: {  	s6 =	simm.s32 @!p1 $0x100;
	p2 =	sne.s32 s4, $0x0;
	[tilespmem:v1+s5+$0x0] =	vst.idx.msk @!p0 $0xffff, v2;
	s5 =	simm.s32 @!p1 $0x0  }
0xbc: {  	[hbm4b:s3+s5] =	stream.linear.scatter @!p1 [tilespmem:s6], [sflag:$0x1], $0x800, $0x38;
	[tilespmem:$0x900] =	vst v63  }
.Ltmp0:
0xbd: {  	_ = 	snop;
	(pc) =	sbr.rel @p2 .LBB2_1-.Ltmp0, $4  }
0xbe: {  	s5 =	simm.s32 @!p1 $0x1  }
0xbf: {  	_ =	swait.ge @!p1 [sflag:s5], $0x800  }
0xc0: {  	[sflag:s5] =	ssyncset.done @!p1 $0x0  }
0xc1: {  	[sflag:s5] =	ssyncadd.s32 @!p1 $0xFFFFF800  }
0xc2: {  	_ =	sfence.sel $0x180000  }
0xc3: {  	[bflag:$0x0] =	sbarrier.arrive $0xFFFF  }
0xc4: {  	p0 =	sne.s32 s0, $0x0;
	_ =	strace $0x90000047  }
0xc5: {  	s0 =	sadd.s32 @!p0 $0x100000, s1;
	[bflag:$0x2] =	sbarrier.arrive $0xFFFF  }
0xc6: {  	[sflag:s0] =	ssyncadd.tile.s32 @!p0 $0x1;
	_ =	shalt  }
.Lfunc_end2:
_tile_overlayer_lowered:
.L_overlay_start_2:
0xc7: {  	(tag) =	ssettag $0x2  }
0xc8: {  	s0 =	rddreg [dreg:$0x0];
	s2 =	stileid.u32  }
0xc9: {  	s1 =	rddreg [dreg:$0x1];
	p0 =	sne.s32 s2, $0x0  }
0xca: {  	s3 =	rddreg [dreg:$0x2];
	[bflag:$0x3] =	sbarrier.arrive $0xFFFF;
	s2 =	simm.s32 @!p0 $0x1C01  }
0xcb: {  	[timem:s3], [sflag:s2] =	dma.local @!p0 [hbm:s0], s1  }
0xcc: {  	s0 =	simm.s32 @!p0 $0x1  }
0xcd: {  	_ =	swait.ge @!p0 [sflag:s0], s1  }
0xce: {  	s1 =	ssub.s32 @!p0 $0x0, s1;
	[sflag:s0] =	ssyncset.done @!p0 $0x0  }
0xcf: {  	[sflag:s0] =	ssyncadd.s32 @!p0 s1  }
0xd0: {  	[bflag:$0x3] =	sbarrier.arrive $0xFFFF  }
0xd1: {  	_ =	shalt  }

</sc_bundles>
